<compile_context>
chip_gen: v7x
topology: tpu7x:2x2x1
jax: 0.10.2.dev20260603
libtpu: 0.0.44.dev20260713+nightly
codegen_flags: <defaults>
</compile_context>

<pallas_src>
import functools

import jax
import jax.numpy as jnp
from jax import lax
from jax.experimental import pallas as pl
from jax.experimental.pallas import tpu as pltpu
from jax.experimental.pallas import tpu_sc as plsc

_N, _K = 16384, 26
_NW = 32
_SC_COLS = 4096
_BC = 2048
_CPT = _SC_COLS // _NW
_NT = _CPT // 16

_LN2 = 0.6931471805599453
_C0 = 0.0009250321113061233 - 127.0 * _LN2
_C1 = 0.9735508519008734
_C2 = -0.3921667221516742
_C3 = 0.11255014928628229


def _log_term(x):
    x = jnp.minimum(jnp.maximum(x, 0.01), 0.99)
    bits = lax.bitcast_convert_type(x, jnp.int32)
    eb = bits >> 23
    m = (bits & 0x7FFFFF) | 0x3F800000
    u = lax.bitcast_convert_type(m, jnp.float32) - 1.0
    r = _C3
    r = r * u + _C2
    r = r * u + _C1
    r = r * u + _C0
    return eb.astype(jnp.float32) * _LN2 + r


_mesh = plsc.VectorSubcoreMesh(core_axis_name="c", subcore_axis_name="s")


@functools.partial(
    pl.kernel,
    mesh=_mesh,
    out_type=jax.ShapeDtypeStruct((2, _NW, 16), jnp.float32),
    scratch_types=[
        pltpu.VMEM((2, _K, _CPT), jnp.float32),
        pltpu.VMEM((2, _K, _CPT), jnp.float32),
        pltpu.VMEM((16,), jnp.float32),
        pltpu.SemaphoreType.DMA,
        pltpu.SemaphoreType.DMA,
        pltpu.SemaphoreType.DMA,
        pltpu.SemaphoreType.DMA,
    ],
)
def _sc_loss(p1, p2, q1, q2, out, pr4, po4, acc_v, s1, s2, s3, s4):
    wid = lax.axis_index("s") * 2 + lax.axis_index("c")
    col0 = wid * _CPT
    cp1 = pltpu.async_copy(p1.at[:, pl.ds(col0, _CPT)], pr4.at[0], s1)
    cp2 = pltpu.async_copy(q2.at[:, pl.ds(col0, _CPT)], po4.at[0], s2)
    cp3 = pltpu.async_copy(p2.at[:, pl.ds(col0, _CPT)], pr4.at[1], s3)
    cp4 = pltpu.async_copy(q1.at[:, pl.ds(col0, _CPT)], po4.at[1], s4)
    cp1.wait()
    cp2.wait()
    cp3.wait()
    cp4.wait()

    zero = jnp.zeros((16,), jnp.float32)
    nacc = 8

    def branch(b, _):
        def body(j, accs):
            accs = list(accs)
            c = j * 16
            for r in range(_K):
                x = pr4[b, r, pl.ds(c, 16)]
                w = po4[b, r, pl.ds(c, 16)]
                accs[r % nacc] = accs[r % nacc] + w * _log_term(x)
            return tuple(accs)
        accs = lax.fori_loop(0, _NT, body, (zero,) * nacc)
        acc_v[...] = ((accs[0] + accs[1]) + (accs[2] + accs[3])) + \
                     ((accs[4] + accs[5]) + (accs[6] + accs[7]))
        pltpu.sync_copy(acc_v, out.at[b, wid])
        return 0

    lax.fori_loop(0, 2, branch, 0)


def _tc_body(p1, p2, q1, q2, out_ref):
    i = pl.program_id(0)

    @pl.when(i == 0)
    def _init():
        out_ref[...] = jnp.zeros_like(out_ref)

    def contrib(pr, po):
        x = jnp.clip(pr[...], 0.01, 0.99) + 1e-10
        return jnp.sum(po[...] * jnp.log(x), axis=1)

    out_ref[0, :] += contrib(p1, q2)
    out_ref[1, :] += contrib(p2, q1)


def _tc_loss(p1t, p2t, q1t, q2t):
    nblk = (_N - _SC_COLS) // _BC
    spec = pl.BlockSpec((_K, _BC), lambda i: (0, i + _SC_COLS // _BC))
    return pl.pallas_call(
        _tc_body, grid=(nblk,),
        in_specs=[spec, spec, spec, spec],
        out_specs=pl.BlockSpec((2, _K), lambda i: (0, 0)),
        out_shape=jax.ShapeDtypeStruct((2, _K), jnp.float32),
    )(p1t, p2t, q1t, q2t)


def kernel(prior_1, prior_2, post_1, post_2):
    t = (prior_1.T, prior_2.T, post_1.T, post_2.T)
    parts_tc = _tc_loss(*t)
    parts_sc = _sc_loss(*t)
    s = jnp.sum(parts_sc, axis=(1, 2)) + jnp.sum(parts_tc, axis=1)
    losses = 0.05 - s / _N
    return (losses[0], losses[1])

# --- scband reference (transcript-rebuilt; emitter-appended) ---
"""Pipeline reference for scband-loss-cdrp-73675868996329 (READ-ONLY COPY).

The authoritative reference and input builder live on the scoring server;
editing this copy changes nothing except your own understanding.
"""

import jax, jax.numpy as jnp
import numpy as np

GAMMA = 5.0
ETA = 0.5
EPS = 0.01
N, K = 16384, 26


def setup_inputs(seed: int = 0) -> dict:
    key = jax.random.key(seed)
    k1, k2, k3, k4 = jax.random.split(key, 4)
    prior_1 = jax.random.uniform(k1, (N, K), dtype=jnp.float32)
    prior_2 = jax.random.uniform(k2, (N, K), dtype=jnp.float32)
    post_1 = jax.random.uniform(k3, (N, K), dtype=jnp.float32)
    post_2 = jax.random.uniform(k4, (N, K), dtype=jnp.float32)
    return {"prior_1": prior_1, "prior_2": prior_2, "post_1": post_1, "post_2": post_2}


def _branch_loss(prior, post_other, gamma, eps):
    # Equivalent to the torch expand + NLLLoss construction:
    # loss_temp_1[n, k] = -log(clamp(prior[n, k], eps, 1-eps) + 1e-10)
    n, k = prior.shape
    probs = jnp.clip(prior, eps, 1.0 - eps)
    loss_temp_1 = -jnp.log(probs + 1e-10)            # [N, K]
    g = jnp.maximum(jnp.asarray(gamma, jnp.float32), 0.0)
    loss_temp_0 = eps * g
    loss_temp_2 = g * (jnp.ones((k, k), jnp.float32) - jnp.eye(k, dtype=jnp.float32))
    loss_temp_3 = loss_temp_1[:, None, :] - loss_temp_2[None, :, :]   # [N, K, K]
    loss_temp_4 = jnp.max(loss_temp_3, axis=2)       # [N, K]
    idx = jnp.argmax(loss_temp_3, axis=2)            # [N, K]
    # post_other is .detach()'ed in torch
    loss = loss_temp_0 + jnp.dot(jax.lax.stop_gradient(post_other).reshape(-1),
                                 loss_temp_4.reshape(-1)) / n
    return loss, loss_temp_1, idx


def _gamma_update(loss_temp_1, idx, post_other, gamma_prev, eta, eps):
    # State-only update of self.gamma_* (does not affect the losses returned
    # by this call). All quantities here are detached in torch.
    n, k = loss_temp_1.shape
    loss_max = jnp.max(loss_temp_1, axis=1)
    alphas = (loss_max[:, None] - loss_temp_1).reshape(-1)
    betas = post_other.reshape(-1)
    order = jnp.argsort(-alphas)                      # descending sort
    alphas_sorted = alphas[order]
    betas_temp = jnp.cumsum(betas[order]) / (n * k) - eps
    sgn = jnp.sign(betas_temp)
    all_nonneg = jnp.all(sgn >= 0)
    all_nonpos = jnp.all(sgn <= 0)
    indices = jnp.arange(betas_temp.shape[0])
    s_star = jnp.max(jnp.where(betas_temp <= 0, indices, -1))
    s_star = jnp.maximum(s_star, 0)
    gamma_0 = jnp.where(
        all_nonneg,
        alphas_sorted[0],
        jnp.where(all_nonpos, jnp.asarray(0.0, jnp.float32), alphas_sorted[s_star]),
    )
    col = jnp.arange(k, dtype=jnp.float32)[None, :] * jnp.ones((n, 1), jnp.float32)
    new_gamma = gamma_0 - eta * (eps - ((idx.astype(jnp.float32) == col) * post_other).sum() / n)
    return new_gamma


def reference(prior_1, prior_2, post_1, post_2):
    # Branch 1: loss_1 uses prior_1 and detached post_2, with gamma_1 = GAMMA
    loss_1, lt1_1, idx_1 = _branch_loss(prior_1, post_2, GAMMA, EPS)
    _gamma_1_new = _gamma_update(lt1_1, idx_1, post_2, GAMMA, ETA, EPS)  # state only
    # Branch 2: loss_2 uses prior_2 and detached post_1, with gamma_2 = GAMMA
    loss_2, lt1_2, idx_2 = _branch_loss(prior_2, post_1, GAMMA, EPS)
    _gamma_2_new = _gamma_update(lt1_2, idx_2, post_1, GAMMA, ETA, EPS)  # state only
    return (loss_1, loss_2)

if __name__ == "__main__":
    import jax
    _d = setup_inputs()
    print(jax.jit(kernel)(*tuple(_d.values())))

</pallas_src>

<mosaic_0001>
#map = affine_map<(d0, d1) -> (0, 0)>
#map1 = affine_map<(d0, d1) -> (0, 0, 0)>
module attributes {stable_mosaic.version = 14 : i64} {
  func.func @_sc_loss(%arg0: i32, %arg1: i32, %arg2: memref<26x16384xf32, #tpu.memory_space<hbm>>, %arg3: memref<26x16384xf32, #tpu.memory_space<hbm>>, %arg4: memref<26x16384xf32, #tpu.memory_space<hbm>>, %arg5: memref<26x16384xf32, #tpu.memory_space<hbm>>, %arg6: memref<2x32x16xf32, #tpu.memory_space<hbm>>, %arg7: memref<2x26x128xf32, #tpu.memory_space<vmem>>, %arg8: memref<2x26x128xf32, #tpu.memory_space<vmem>>, %arg9: memref<16xf32, #tpu.memory_space<vmem>>, %arg10: memref<!tpu.dma_semaphore, #tpu.memory_space<semaphore_mem>>, %arg11: memref<!tpu.dma_semaphore, #tpu.memory_space<semaphore_mem>>, %arg12: memref<!tpu.dma_semaphore, #tpu.memory_space<semaphore_mem>>, %arg13: memref<!tpu.dma_semaphore, #tpu.memory_space<semaphore_mem>>) attributes {dimension_semantics = [#tpu.dimension_semantics<core_parallel>, #tpu.dimension_semantics<subcore_parallel>], iteration_bounds = array<i64: 2, 16>, scalar_prefetch = 0 : i64, scratch_operands = 7 : i64, tpu.core_type = #tpu.core_type<sc_vector_subcore>, window_params = [{transform_indices = #map}, {transform_indices = #map}, {transform_indices = #map}, {transform_indices = #map}, {transform_indices = #map1}]} {
    %mul3A = arith.constant 2 : i32
    %mul3A_0 = arith.muli %arg1, %mul3A : i32
    %add3A = arith.addi %mul3A_0, %arg0 : i32
    %mul3A_1 = arith.constant 128 : i32
    %mul3A_2 = arith.muli %add3A, %mul3A_1 : i32
    %dma_start3A = arith.constant 0 : i32
    %dma_start3A_3 = arith.constant 0 : i32
    %dma_start3A_4 = arith.constant 0 : i32
    %dma_start3A_5 = tpu.memref_slice %arg7[%dma_start3A, %dma_start3A_3, %dma_start3A_4] : memref<2x26x128xf32, #tpu.memory_space<vmem>> -> memref<1x26x128xf32, #tpu.memory_space<vmem>>
    %dma_start3A_6 = tpu.memref_squeeze %dma_start3A_5 : memref<1x26x128xf32, #tpu.memory_space<vmem>> -> memref<26x128xf32, #tpu.memory_space<vmem>>
    %dma_start3A_7 = arith.constant 0 : i32
    %dma_start3A_8 = tpu.memref_slice %arg2[%dma_start3A_7, %mul3A_2] : memref<26x16384xf32, #tpu.memory_space<hbm>> -> memref<26x128xf32, #tpu.memory_space<hbm>>
    %dma_start3A_9 = arith.constant 0 : i32
    %dma_start3A_10 = arith.constant 0 : i32
    %dma_start3A_11 = tpu.memref_slice %arg7[%dma_start3A, %dma_start3A_9, %dma_start3A_10] : memref<2x26x128xf32, #tpu.memory_space<vmem>> -> memref<1x26x128xf32, #tpu.memory_space<vmem>>
    %dma_start3A_12 = tpu.memref_squeeze %dma_start3A_11 : memref<1x26x128xf32, #tpu.memory_space<vmem>> -> memref<26x128xf32, #tpu.memory_space<vmem>>
    %dma_start3A_13 = arith.constant 0 : i32
    %dma_start3A_14 = tpu.memref_slice %arg2[%dma_start3A_13, %mul3A_2] : memref<26x16384xf32, #tpu.memory_space<hbm>> -> memref<26x128xf32, #tpu.memory_space<hbm>>
    tpu.enqueue_dma source(%dma_start3A_14 : memref<26x128xf32, #tpu.memory_space<hbm>>) target(%dma_start3A_12 : memref<26x128xf32, #tpu.memory_space<vmem>>) target_semaphore(%arg10 : memref<!tpu.dma_semaphore, #tpu.memory_space<semaphore_mem>>)
    %dma_start3A_15 = arith.constant 0 : i32
    %dma_start3A_16 = arith.constant 0 : i32
    %dma_start3A_17 = arith.constant 0 : i32
    %dma_start3A_18 = tpu.memref_slice %arg8[%dma_start3A_15, %dma_start3A_16, %dma_start3A_17] : memref<2x26x128xf32, #tpu.memory_space<vmem>> -> memref<1x26x128xf32, #tpu.memory_space<vmem>>
    %dma_start3A_19 = tpu.memref_squeeze %dma_start3A_18 : memref<1x26x128xf32, #tpu.memory_space<vmem>> -> memref<26x128xf32, #tpu.memory_space<vmem>>
    %dma_start3A_20 = arith.constant 0 : i32
    %dma_start3A_21 = tpu.memref_slice %arg5[%dma_start3A_20, %mul3A_2] : memref<26x16384xf32, #tpu.memory_space<hbm>> -> memref<26x128xf32, #tpu.memory_space<hbm>>
    %dma_start3A_22 = arith.constant 0 : i32
    %dma_start3A_23 = arith.constant 0 : i32
    %dma_start3A_24 = tpu.memref_slice %arg8[%dma_start3A_15, %dma_start3A_22, %dma_start3A_23] : memref<2x26x128xf32, #tpu.memory_space<vmem>> -> memref<1x26x128xf32, #tpu.memory_space<vmem>>
    %dma_start3A_25 = tpu.memref_squeeze %dma_start3A_24 : memref<1x26x128xf32, #tpu.memory_space<vmem>> -> memref<26x128xf32, #tpu.memory_space<vmem>>
    %dma_start3A_26 = arith.constant 0 : i32
    %dma_start3A_27 = tpu.memref_slice %arg5[%dma_start3A_26, %mul3A_2] : memref<26x16384xf32, #tpu.memory_space<hbm>> -> memref<26x128xf32, #tpu.memory_space<hbm>>
    tpu.enqueue_dma source(%dma_start3A_27 : memref<26x128xf32, #tpu.memory_space<hbm>>) target(%dma_start3A_25 : memref<26x128xf32, #tpu.memory_space<vmem>>) target_semaphore(%arg11 : memref<!tpu.dma_semaphore, #tpu.memory_space<semaphore_mem>>)
    %dma_start3A_28 = arith.constant 1 : i32
    %dma_start3A_29 = arith.constant 0 : i32
    %dma_start3A_30 = arith.constant 0 : i32
    %dma_start3A_31 = tpu.memref_slice %arg7[%dma_start3A_28, %dma_start3A_29, %dma_start3A_30] : memref<2x26x128xf32, #tpu.memory_space<vmem>> -> memref<1x26x128xf32, #tpu.memory_space<vmem>>
    %dma_start3A_32 = tpu.memref_squeeze %dma_start3A_31 : memref<1x26x128xf32, #tpu.memory_space<vmem>> -> memref<26x128xf32, #tpu.memory_space<vmem>>
    %dma_start3A_33 = arith.constant 0 : i32
    %dma_start3A_34 = tpu.memref_slice %arg3[%dma_start3A_33, %mul3A_2] : memref<26x16384xf32, #tpu.memory_space<hbm>> -> memref<26x128xf32, #tpu.memory_space<hbm>>
    %dma_start3A_35 = arith.constant 0 : i32
    %dma_start3A_36 = arith.constant 0 : i32
    %dma_start3A_37 = tpu.memref_slice %arg7[%dma_start3A_28, %dma_start3A_35, %dma_start3A_36] : memref<2x26x128xf32, #tpu.memory_space<vmem>> -> memref<1x26x128xf32, #tpu.memory_space<vmem>>
    %dma_start3A_38 = tpu.memref_squeeze %dma_start3A_37 : memref<1x26x128xf32, #tpu.memory_space<vmem>> -> memref<26x128xf32, #tpu.memory_space<vmem>>
    %dma_start3A_39 = arith.constant 0 : i32
    %dma_start3A_40 = tpu.memref_slice %arg3[%dma_start3A_39, %mul3A_2] : memref<26x16384xf32, #tpu.memory_space<hbm>> -> memref<26x128xf32, #tpu.memory_space<hbm>>
    tpu.enqueue_dma source(%dma_start3A_40 : memref<26x128xf32, #tpu.memory_space<hbm>>) target(%dma_start3A_38 : memref<26x128xf32, #tpu.memory_space<vmem>>) target_semaphore(%arg12 : memref<!tpu.dma_semaphore, #tpu.memory_space<semaphore_mem>>)
    %dma_start3A_41 = arith.constant 1 : i32
    %dma_start3A_42 = arith.constant 0 : i32
    %dma_start3A_43 = arith.constant 0 : i32
    %dma_start3A_44 = tpu.memref_slice %arg8[%dma_start3A_41, %dma_start3A_42, %dma_start3A_43] : memref<2x26x128xf32, #tpu.memory_space<vmem>> -> memref<1x26x128xf32, #tpu.memory_space<vmem>>
    %dma_start3A_45 = tpu.memref_squeeze %dma_start3A_44 : memref<1x26x128xf32, #tpu.memory_space<vmem>> -> memref<26x128xf32, #tpu.memory_space<vmem>>
    %dma_start3A_46 = arith.constant 0 : i32
    %dma_start3A_47 = tpu.memref_slice %arg4[%dma_start3A_46, %mul3A_2] : memref<26x16384xf32, #tpu.memory_space<hbm>> -> memref<26x128xf32, #tpu.memory_space<hbm>>
    %dma_start3A_48 = arith.constant 0 : i32
    %dma_start3A_49 = arith.constant 0 : i32
    %dma_start3A_50 = tpu.memref_slice %arg8[%dma_start3A_41, %dma_start3A_48, %dma_start3A_49] : memref<2x26x128xf32, #tpu.memory_space<vmem>> -> memref<1x26x128xf32, #tpu.memory_space<vmem>>
    %dma_start3A_51 = tpu.memref_squeeze %dma_start3A_50 : memref<1x26x128xf32, #tpu.memory_space<vmem>> -> memref<26x128xf32, #tpu.memory_space<vmem>>
    %dma_start3A_52 = arith.constant 0 : i32
    %dma_start3A_53 = tpu.memref_slice %arg4[%dma_start3A_52, %mul3A_2] : memref<26x16384xf32, #tpu.memory_space<hbm>> -> memref<26x128xf32, #tpu.memory_space<hbm>>
    tpu.enqueue_dma source(%dma_start3A_53 : memref<26x128xf32, #tpu.memory_space<hbm>>) target(%dma_start3A_51 : memref<26x128xf32, #tpu.memory_space<vmem>>) target_semaphore(%arg13 : memref<!tpu.dma_semaphore, #tpu.memory_space<semaphore_mem>>)
    %dma_wait3A = arith.constant 0 : i32
    %dma_wait3A_54 = arith.constant 0 : i32
    %dma_wait3A_55 = arith.constant 0 : i32
    %dma_wait3A_56 = tpu.memref_slice %arg7[%dma_wait3A, %dma_wait3A_54, %dma_wait3A_55] : memref<2x26x128xf32, #tpu.memory_space<vmem>> -> memref<1x26x128xf32, #tpu.memory_space<vmem>>
    %dma_wait3A_57 = tpu.memref_squeeze %dma_wait3A_56 : memref<1x26x128xf32, #tpu.memory_space<vmem>> -> memref<26x128xf32, #tpu.memory_space<vmem>>
    %dma_wait3A_58 = arith.constant 0 : i32
    %dma_wait3A_59 = tpu.memref_slice %arg2[%dma_wait3A_58, %mul3A_2] : memref<26x16384xf32, #tpu.memory_space<hbm>> -> memref<26x128xf32, #tpu.memory_space<hbm>>
    %dma_wait3A_60 = arith.constant 0 : i32
    %dma_wait3A_61 = arith.constant 0 : i32
    %dma_wait3A_62 = tpu.memref_slice %arg7[%dma_wait3A, %dma_wait3A_60, %dma_wait3A_61] : memref<2x26x128xf32, #tpu.memory_space<vmem>> -> memref<1x26x128xf32, #tpu.memory_space<vmem>>
    %dma_wait3A_63 = tpu.memref_squeeze %dma_wait3A_62 : memref<1x26x128xf32, #tpu.memory_space<vmem>> -> memref<26x128xf32, #tpu.memory_space<vmem>>
    %dma_wait3A_64 = arith.constant 0 : i32
    %dma_wait3A_65 = tpu.memref_slice %arg2[%dma_wait3A_64, %mul3A_2] : memref<26x16384xf32, #tpu.memory_space<hbm>> -> memref<26x128xf32, #tpu.memory_space<hbm>>
    tpu.wait_dma2 semaphore(%arg10 : memref<!tpu.dma_semaphore, #tpu.memory_space<semaphore_mem>>) src(%dma_wait3A_65 : memref<26x128xf32, #tpu.memory_space<hbm>>) dst(%dma_wait3A_63 : memref<26x128xf32, #tpu.memory_space<vmem>>)
    %dma_wait3A_66 = arith.constant 0 : i32
    %dma_wait3A_67 = arith.constant 0 : i32
    %dma_wait3A_68 = arith.constant 0 : i32
    %dma_wait3A_69 = tpu.memref_slice %arg8[%dma_wait3A_66, %dma_wait3A_67, %dma_wait3A_68] : memref<2x26x128xf32, #tpu.memory_space<vmem>> -> memref<1x26x128xf32, #tpu.memory_space<vmem>>
    %dma_wait3A_70 = tpu.memref_squeeze %dma_wait3A_69 : memref<1x26x128xf32, #tpu.memory_space<vmem>> -> memref<26x128xf32, #tpu.memory_space<vmem>>
    %dma_wait3A_71 = arith.constant 0 : i32
    %dma_wait3A_72 = tpu.memref_slice %arg5[%dma_wait3A_71, %mul3A_2] : memref<26x16384xf32, #tpu.memory_space<hbm>> -> memref<26x128xf32, #tpu.memory_space<hbm>>
    %dma_wait3A_73 = arith.constant 0 : i32
    %dma_wait3A_74 = arith.constant 0 : i32
    %dma_wait3A_75 = tpu.memref_slice %arg8[%dma_wait3A_66, %dma_wait3A_73, %dma_wait3A_74] : memref<2x26x128xf32, #tpu.memory_space<vmem>> -> memref<1x26x128xf32, #tpu.memory_space<vmem>>
    %dma_wait3A_76 = tpu.memref_squeeze %dma_wait3A_75 : memref<1x26x128xf32, #tpu.memory_space<vmem>> -> memref<26x128xf32, #tpu.memory_space<vmem>>
    %dma_wait3A_77 = arith.constant 0 : i32
    %dma_wait3A_78 = tpu.memref_slice %arg5[%dma_wait3A_77, %mul3A_2] : memref<26x16384xf32, #tpu.memory_space<hbm>> -> memref<26x128xf32, #tpu.memory_space<hbm>>
    tpu.wait_dma2 semaphore(%arg11 : memref<!tpu.dma_semaphore, #tpu.memory_space<semaphore_mem>>) src(%dma_wait3A_78 : memref<26x128xf32, #tpu.memory_space<hbm>>) dst(%dma_wait3A_76 : memref<26x128xf32, #tpu.memory_space<vmem>>)
    %dma_wait3A_79 = arith.constant 1 : i32
    %dma_wait3A_80 = arith.constant 0 : i32
    %dma_wait3A_81 = arith.constant 0 : i32
    %dma_wait3A_82 = tpu.memref_slice %arg7[%dma_wait3A_79, %dma_wait3A_80, %dma_wait3A_81] : memref<2x26x128xf32, #tpu.memory_space<vmem>> -> memref<1x26x128xf32, #tpu.memory_space<vmem>>
    %dma_wait3A_83 = tpu.memref_squeeze %dma_wait3A_82 : memref<1x26x128xf32, #tpu.memory_space<vmem>> -> memref<26x128xf32, #tpu.memory_space<vmem>>
    %dma_wait3A_84 = arith.constant 0 : i32
    %dma_wait3A_85 = tpu.memref_slice %arg3[%dma_wait3A_84, %mul3A_2] : memref<26x16384xf32, #tpu.memory_space<hbm>> -> memref<26x128xf32, #tpu.memory_space<hbm>>
    %dma_wait3A_86 = arith.constant 0 : i32
    %dma_wait3A_87 = arith.constant 0 : i32
    %dma_wait3A_88 = tpu.memref_slice %arg7[%dma_wait3A_79, %dma_wait3A_86, %dma_wait3A_87] : memref<2x26x128xf32, #tpu.memory_space<vmem>> -> memref<1x26x128xf32, #tpu.memory_space<vmem>>
    %dma_wait3A_89 = tpu.memref_squeeze %dma_wait3A_88 : memref<1x26x128xf32, #tpu.memory_space<vmem>> -> memref<26x128xf32, #tpu.memory_space<vmem>>
    %dma_wait3A_90 = arith.constant 0 : i32
    %dma_wait3A_91 = tpu.memref_slice %arg3[%dma_wait3A_90, %mul3A_2] : memref<26x16384xf32, #tpu.memory_space<hbm>> -> memref<26x128xf32, #tpu.memory_space<hbm>>
    tpu.wait_dma2 semaphore(%arg12 : memref<!tpu.dma_semaphore, #tpu.memory_space<semaphore_mem>>) src(%dma_wait3A_91 : memref<26x128xf32, #tpu.memory_space<hbm>>) dst(%dma_wait3A_89 : memref<26x128xf32, #tpu.memory_space<vmem>>)
    %dma_wait3A_92 = arith.constant 1 : i32
    %dma_wait3A_93 = arith.constant 0 : i32
    %dma_wait3A_94 = arith.constant 0 : i32
    %dma_wait3A_95 = tpu.memref_slice %arg8[%dma_wait3A_92, %dma_wait3A_93, %dma_wait3A_94] : memref<2x26x128xf32, #tpu.memory_space<vmem>> -> memref<1x26x128xf32, #tpu.memory_space<vmem>>
    %dma_wait3A_96 = tpu.memref_squeeze %dma_wait3A_95 : memref<1x26x128xf32, #tpu.memory_space<vmem>> -> memref<26x128xf32, #tpu.memory_space<vmem>>
    %dma_wait3A_97 = arith.constant 0 : i32
    %dma_wait3A_98 = tpu.memref_slice %arg4[%dma_wait3A_97, %mul3A_2] : memref<26x16384xf32, #tpu.memory_space<hbm>> -> memref<26x128xf32, #tpu.memory_space<hbm>>
    %dma_wait3A_99 = arith.constant 0 : i32
    %dma_wait3A_100 = arith.constant 0 : i32
    %dma_wait3A_101 = tpu.memref_slice %arg8[%dma_wait3A_92, %dma_wait3A_99, %dma_wait3A_100] : memref<2x26x128xf32, #tpu.memory_space<vmem>> -> memref<1x26x128xf32, #tpu.memory_space<vmem>>
    %dma_wait3A_102 = tpu.memref_squeeze %dma_wait3A_101 : memref<1x26x128xf32, #tpu.memory_space<vmem>> -> memref<26x128xf32, #tpu.memory_space<vmem>>
    %dma_wait3A_103 = arith.constant 0 : i32
    %dma_wait3A_104 = tpu.memref_slice %arg4[%dma_wait3A_103, %mul3A_2] : memref<26x16384xf32, #tpu.memory_space<hbm>> -> memref<26x128xf32, #tpu.memory_space<hbm>>
    tpu.wait_dma2 semaphore(%arg13 : memref<!tpu.dma_semaphore, #tpu.memory_space<semaphore_mem>>) src(%dma_wait3A_104 : memref<26x128xf32, #tpu.memory_space<hbm>>) dst(%dma_wait3A_102 : memref<26x128xf32, #tpu.memory_space<vmem>>)
    %broadcast_in_dim3A = arith.constant 0.000000e+00 : f32
    %broadcast_in_dim3A_105 = vector.broadcast %broadcast_in_dim3A : f32 to vector<16xf32>
    %scan3A = arith.constant 0 : i32
    %scan3A_106 = arith.constant 0 : i32
    %scan3A_107 = arith.constant 2 : i32
    %scan3A_108 = arith.addi %scan3A_106, %scan3A_107 : i32
    %scan3A_109 = arith.constant 1 : i32
    %scan3A_110 = scf.for %scan3A_112 = %scan3A_106 to %scan3A_108 step %scan3A_109 iter_args(%scan3A_113 = %scan3A) -> (i32)  : i32 {
      %scan3A_114 = arith.constant 0 : i32
      %scan3A_115 = arith.constant 8 : i32
      %scan3A_116 = arith.addi %scan3A_114, %scan3A_115 : i32
      %scan3A_117 = arith.constant 1 : i32
      %scan3A_118:8 = scf.for %scan3A_131 = %scan3A_114 to %scan3A_116 step %scan3A_117 iter_args(%scan3A_132 = %broadcast_in_dim3A_105, %scan3A_133 = %broadcast_in_dim3A_105, %scan3A_134 = %broadcast_in_dim3A_105, %scan3A_135 = %broadcast_in_dim3A_105, %scan3A_136 = %broadcast_in_dim3A_105, %scan3A_137 = %broadcast_in_dim3A_105, %scan3A_138 = %broadcast_in_dim3A_105, %scan3A_139 = %broadcast_in_dim3A_105) -> (vector<16xf32>, vector<16xf32>, vector<16xf32>, vector<16xf32>, vector<16xf32>, vector<16xf32>, vector<16xf32>, vector<16xf32>)  : i32 {
        %mul3A_140 = arith.constant 16 : i32
        %mul3A_141 = arith.muli %scan3A_131, %mul3A_140 : i32
        %get3A = arith.constant 0 : i32
        %get3A_142 = arith.index_cast %scan3A_112 : i32 to index
        %get3A_143 = arith.index_cast %get3A : i32 to index
        %get3A_144 = arith.index_cast %mul3A_141 : i32 to index
        %get3A_145 = tpu.vector_load %arg7[%get3A_142, %get3A_143, %get3A_144] {strides = array<i32>} : memref<2x26x128xf32, #tpu.memory_space<vmem>>, vector<1x1x16xf32>,
        %get3A_146 = vector.shape_cast %get3A_145 : vector<1x1x16xf32> to vector<16xf32>
        %get3A_147 = arith.constant 0 : i32
        %get3A_148 = arith.index_cast %scan3A_112 : i32 to index
        %get3A_149 = arith.index_cast %get3A_147 : i32 to index
        %get3A_150 = arith.index_cast %mul3A_141 : i32 to index
        %get3A_151 = tpu.vector_load %arg8[%get3A_148, %get3A_149, %get3A_150] {strides = array<i32>} : memref<2x26x128xf32, #tpu.memory_space<vmem>>, vector<1x1x16xf32>,
        %get3A_152 = vector.shape_cast %get3A_151 : vector<1x1x16xf32> to vector<16xf32>
        %max3A = arith.constant 0.00999999977 : f32
        %max3A_153 = vector.broadcast %max3A : f32 to vector<16xf32>
        %max3A_154 = arith.maximumf %get3A_146, %max3A_153 : vector<16xf32>
        %min3A = arith.constant 9.900000e-01 : f32
        %min3A_155 = vector.broadcast %min3A : f32 to vector<16xf32>
        %min3A_156 = arith.minimumf %max3A_154, %min3A_155 : vector<16xf32>
        %bitcast_convert_type3A = tpu.bitcast %min3A_156 : vector<16xf32> -> vector<16xi32>
        %shift_right_arithmetic3A = arith.constant 23 : i32
        %shift_right_arithmetic3A_157 = vector.broadcast %shift_right_arithmetic3A : i32 to vector<16xi32>
        %shift_right_arithmetic3A_158 = arith.shrsi %bitcast_convert_type3A, %shift_right_arithmetic3A_157 : vector<16xi32>
        %and3A = arith.constant 8388607 : i32
        %and3A_159 = vector.broadcast %and3A : i32 to vector<16xi32>
        %and3A_160 = arith.andi %bitcast_convert_type3A, %and3A_159 : vector<16xi32>
        %or3A = arith.constant 1065353216 : i32
        %or3A_161 = vector.broadcast %or3A : i32 to vector<16xi32>
        %or3A_162 = arith.ori %and3A_160, %or3A_161 : vector<16xi32>
        %bitcast_convert_type3A_163 = tpu.bitcast %or3A_162 : vector<16xi32> -> vector<16xf32>
        %sub3A = arith.constant 1.000000e+00 : f32
        %sub3A_164 = vector.broadcast %sub3A : f32 to vector<16xf32>
        %sub3A_165 = arith.subf %bitcast_convert_type3A_163, %sub3A_164 : vector<16xf32>
        %mul3A_166 = arith.constant 0.112550147 : f32
        %mul3A_167 = vector.broadcast %mul3A_166 : f32 to vector<16xf32>
        %mul3A_168 = arith.mulf %mul3A_167, %sub3A_165 : vector<16xf32>
        %add3A_169 = arith.constant -0.392166734 : f32
        %add3A_170 = vector.broadcast %add3A_169 : f32 to vector<16xf32>
        %add3A_171 = arith.addf %mul3A_168, %add3A_170 : vector<16xf32>
        %mul3A_172 = arith.mulf %add3A_171, %sub3A_165 : vector<16xf32>
        %add3A_173 = arith.constant 0.973550856 : f32
        %add3A_174 = vector.broadcast %add3A_173 : f32 to vector<16xf32>
        %add3A_175 = arith.addf %mul3A_172, %add3A_174 : vector<16xf32>
        %mul3A_176 = arith.mulf %add3A_175, %sub3A_165 : vector<16xf32>
        %add3A_177 = arith.constant -88.0287704 : f32
        %add3A_178 = vector.broadcast %add3A_177 : f32 to vector<16xf32>
        %add3A_179 = arith.addf %mul3A_176, %add3A_178 : vector<16xf32>
        %convert_element_type3A = arith.sitofp %shift_right_arithmetic3A_158 : vector<16xi32> to vector<16xf32>
        %mul3A_180 = arith.constant 0.693147182 : f32
        %mul3A_181 = vector.broadcast %mul3A_180 : f32 to vector<16xf32>
        %mul3A_182 = arith.mulf %convert_element_type3A, %mul3A_181 : vector<16xf32>
        %add3A_183 = arith.addf %mul3A_182, %add3A_179 : vector<16xf32>
        %mul3A_184 = arith.mulf %get3A_152, %add3A_183 : vector<16xf32>
        %add3A_185 = arith.addf %scan3A_132, %mul3A_184 : vector<16xf32>
        %get3A_186 = arith.constant 1 : i32
        %get3A_187 = arith.index_cast %scan3A_112 : i32 to index
        %get3A_188 = arith.index_cast %get3A_186 : i32 to index
        %get3A_189 = arith.index_cast %mul3A_141 : i32 to index
        %get3A_190 = tpu.vector_load %arg7[%get3A_187, %get3A_188, %get3A_189] {strides = array<i32>} : memref<2x26x128xf32, #tpu.memory_space<vmem>>, vector<1x1x16xf32>,
        %get3A_191 = vector.shape_cast %get3A_190 : vector<1x1x16xf32> to vector<16xf32>
        %get3A_192 = arith.constant 1 : i32
        %get3A_193 = arith.index_cast %scan3A_112 : i32 to index
        %get3A_194 = arith.index_cast %get3A_192 : i32 to index
        %get3A_195 = arith.index_cast %mul3A_141 : i32 to index
        %get3A_196 = tpu.vector_load %arg8[%get3A_193, %get3A_194, %get3A_195] {strides = array<i32>} : memref<2x26x128xf32, #tpu.memory_space<vmem>>, vector<1x1x16xf32>,
        %get3A_197 = vector.shape_cast %get3A_196 : vector<1x1x16xf32> to vector<16xf32>
        %max3A_198 = arith.constant 0.00999999977 : f32
        %max3A_199 = vector.broadcast %max3A_198 : f32 to vector<16xf32>
        %max3A_200 = arith.maximumf %get3A_191, %max3A_199 : vector<16xf32>
        %min3A_201 = arith.constant 9.900000e-01 : f32
        %min3A_202 = vector.broadcast %min3A_201 : f32 to vector<16xf32>
        %min3A_203 = arith.minimumf %max3A_200, %min3A_202 : vector<16xf32>
        %bitcast_convert_type3A_204 = tpu.bitcast %min3A_203 : vector<16xf32> -> vector<16xi32>
        %shift_right_arithmetic3A_205 = arith.constant 23 : i32
        %shift_right_arithmetic3A_206 = vector.broadcast %shift_right_arithmetic3A_205 : i32 to vector<16xi32>
        %shift_right_arithmetic3A_207 = arith.shrsi %bitcast_convert_type3A_204, %shift_right_arithmetic3A_206 : vector<16xi32>
        %and3A_208 = arith.constant 8388607 : i32
        %and3A_209 = vector.broadcast %and3A_208 : i32 to vector<16xi32>
        %and3A_210 = arith.andi %bitcast_convert_type3A_204, %and3A_209 : vector<16xi32>
        %or3A_211 = arith.constant 1065353216 : i32
        %or3A_212 = vector.broadcast %or3A_211 : i32 to vector<16xi32>
        %or3A_213 = arith.ori %and3A_210, %or3A_212 : vector<16xi32>
        %bitcast_convert_type3A_214 = tpu.bitcast %or3A_213 : vector<16xi32> -> vector<16xf32>
        %sub3A_215 = arith.constant 1.000000e+00 : f32
        %sub3A_216 = vector.broadcast %sub3A_215 : f32 to vector<16xf32>
        %sub3A_217 = arith.subf %bitcast_convert_type3A_214, %sub3A_216 : vector<16xf32>
        %mul3A_218 = arith.constant 0.112550147 : f32
        %mul3A_219 = vector.broadcast %mul3A_218 : f32 to vector<16xf32>
        %mul3A_220 = arith.mulf %mul3A_219, %sub3A_217 : vector<16xf32>
        %add3A_221 = arith.constant -0.392166734 : f32
        %add3A_222 = vector.broadcast %add3A_221 : f32 to vector<16xf32>
        %add3A_223 = arith.addf %mul3A_220, %add3A_222 : vector<16xf32>
        %mul3A_224 = arith.mulf %add3A_223, %sub3A_217 : vector<16xf32>
        %add3A_225 = arith.constant 0.973550856 : f32
        %add3A_226 = vector.broadcast %add3A_225 : f32 to vector<16xf32>
        %add3A_227 = arith.addf %mul3A_224, %add3A_226 : vector<16xf32>
        %mul3A_228 = arith.mulf %add3A_227, %sub3A_217 : vector<16xf32>
        %add3A_229 = arith.constant -88.0287704 : f32
        %add3A_230 = vector.broadcast %add3A_229 : f32 to vector<16xf32>
        %add3A_231 = arith.addf %mul3A_228, %add3A_230 : vector<16xf32>
        %convert_element_type3A_232 = arith.sitofp %shift_right_arithmetic3A_207 : vector<16xi32> to vector<16xf32>
        %mul3A_233 = arith.constant 0.693147182 : f32
        %mul3A_234 = vector.broadcast %mul3A_233 : f32 to vector<16xf32>
        %mul3A_235 = arith.mulf %convert_element_type3A_232, %mul3A_234 : vector<16xf32>
        %add3A_236 = arith.addf %mul3A_235, %add3A_231 : vector<16xf32>
        %mul3A_237 = arith.mulf %get3A_197, %add3A_236 : vector<16xf32>
        %add3A_238 = arith.addf %scan3A_133, %mul3A_237 : vector<16xf32>
        %get3A_239 = arith.constant 2 : i32
        %get3A_240 = arith.index_cast %scan3A_112 : i32 to index
        %get3A_241 = arith.index_cast %get3A_239 : i32 to index
        %get3A_242 = arith.index_cast %mul3A_141 : i32 to index
        %get3A_243 = tpu.vector_load %arg7[%get3A_240, %get3A_241, %get3A_242] {strides = array<i32>} : memref<2x26x128xf32, #tpu.memory_space<vmem>>, vector<1x1x16xf32>,
        %get3A_244 = vector.shape_cast %get3A_243 : vector<1x1x16xf32> to vector<16xf32>
        %get3A_245 = arith.constant 2 : i32
        %get3A_246 = arith.index_cast %scan3A_112 : i32 to index
        %get3A_247 = arith.index_cast %get3A_245 : i32 to index
        %get3A_248 = arith.index_cast %mul3A_141 : i32 to index
        %get3A_249 = tpu.vector_load %arg8[%get3A_246, %get3A_247, %get3A_248] {strides = array<i32>} : memref<2x26x128xf32, #tpu.memory_space<vmem>>, vector<1x1x16xf32>,
        %get3A_250 = vector.shape_cast %get3A_249 : vector<1x1x16xf32> to vector<16xf32>
        %max3A_251 = arith.constant 0.00999999977 : f32
        %max3A_252 = vector.broadcast %max3A_251 : f32 to vector<16xf32>
        %max3A_253 = arith.maximumf %get3A_244, %max3A_252 : vector<16xf32>
        %min3A_254 = arith.constant 9.900000e-01 : f32
        %min3A_255 = vector.broadcast %min3A_254 : f32 to vector<16xf32>
        %min3A_256 = arith.minimumf %max3A_253, %min3A_255 : vector<16xf32>
        %bitcast_convert_type3A_257 = tpu.bitcast %min3A_256 : vector<16xf32> -> vector<16xi32>
        %shift_right_arithmetic3A_258 = arith.constant 23 : i32
        %shift_right_arithmetic3A_259 = vector.broadcast %shift_right_arithmetic3A_258 : i32 to vector<16xi32>
        %shift_right_arithmetic3A_260 = arith.shrsi %bitcast_convert_type3A_257, %shift_right_arithmetic3A_259 : vector<16xi32>
        %and3A_261 = arith.constant 8388607 : i32
        %and3A_262 = vector.broadcast %and3A_261 : i32 to vector<16xi32>
        %and3A_263 = arith.andi %bitcast_convert_type3A_257, %and3A_262 : vector<16xi32>
        %or3A_264 = arith.constant 1065353216 : i32
        %or3A_265 = vector.broadcast %or3A_264 : i32 to vector<16xi32>
        %or3A_266 = arith.ori %and3A_263, %or3A_265 : vector<16xi32>
        %bitcast_convert_type3A_267 = tpu.bitcast %or3A_266 : vector<16xi32> -> vector<16xf32>
        %sub3A_268 = arith.constant 1.000000e+00 : f32
        %sub3A_269 = vector.broadcast %sub3A_268 : f32 to vector<16xf32>
        %sub3A_270 = arith.subf %bitcast_convert_type3A_267, %sub3A_269 : vector<16xf32>
        %mul3A_271 = arith.constant 0.112550147 : f32
        %mul3A_272 = vector.broadcast %mul3A_271 : f32 to vector<16xf32>
        %mul3A_273 = arith.mulf %mul3A_272, %sub3A_270 : vector<16xf32>
        %add3A_274 = arith.constant -0.392166734 : f32
        %add3A_275 = vector.broadcast %add3A_274 : f32 to vector<16xf32>
        %add3A_276 = arith.addf %mul3A_273, %add3A_275 : vector<16xf32>
        %mul3A_277 = arith.mulf %add3A_276, %sub3A_270 : vector<16xf32>
        %add3A_278 = arith.constant 0.973550856 : f32
        %add3A_279 = vector.broadcast %add3A_278 : f32 to vector<16xf32>
        %add3A_280 = arith.addf %mul3A_277, %add3A_279 : vector<16xf32>
        %mul3A_281 = arith.mulf %add3A_280, %sub3A_270 : vector<16xf32>
        %add3A_282 = arith.constant -88.0287704 : f32
        %add3A_283 = vector.broadcast %add3A_282 : f32 to vector<16xf32>
        %add3A_284 = arith.addf %mul3A_281, %add3A_283 : vector<16xf32>
        %convert_element_type3A_285 = arith.sitofp %shift_right_arithmetic3A_260 : vector<16xi32> to vector<16xf32>
        %mul3A_286 = arith.constant 0.693147182 : f32
        %mul3A_287 = vector.broadcast %mul3A_286 : f32 to vector<16xf32>
        %mul3A_288 = arith.mulf %convert_element_type3A_285, %mul3A_287 : vector<16xf32>
        %add3A_289 = arith.addf %mul3A_288, %add3A_284 : vector<16xf32>
        %mul3A_290 = arith.mulf %get3A_250, %add3A_289 : vector<16xf32>
        %add3A_291 = arith.addf %scan3A_134, %mul3A_290 : vector<16xf32>
        %get3A_292 = arith.constant 3 : i32
        %get3A_293 = arith.index_cast %scan3A_112 : i32 to index
        %get3A_294 = arith.index_cast %get3A_292 : i32 to index
        %get3A_295 = arith.index_cast %mul3A_141 : i32 to index
        %get3A_296 = tpu.vector_load %arg7[%get3A_293, %get3A_294, %get3A_295] {strides = array<i32>} : memref<2x26x128xf32, #tpu.memory_space<vmem>>, vector<1x1x16xf32>,
        %get3A_297 = vector.shape_cast %get3A_296 : vector<1x1x16xf32> to vector<16xf32>
        %get3A_298 = arith.constant 3 : i32
        %get3A_299 = arith.index_cast %scan3A_112 : i32 to index
        %get3A_300 = arith.index_cast %get3A_298 : i32 to index
        %get3A_301 = arith.index_cast %mul3A_141 : i32 to index
        %get3A_302 = tpu.vector_load %arg8[%get3A_299, %get3A_300, %get3A_301] {strides = array<i32>} : memref<2x26x128xf32, #tpu.memory_space<vmem>>, vector<1x1x16xf32>,
        %get3A_303 = vector.shape_cast %get3A_302 : vector<1x1x16xf32> to vector<16xf32>
        %max3A_304 = arith.constant 0.00999999977 : f32
        %max3A_305 = vector.broadcast %max3A_304 : f32 to vector<16xf32>
        %max3A_306 = arith.maximumf %get3A_297, %max3A_305 : vector<16xf32>
        %min3A_307 = arith.constant 9.900000e-01 : f32
        %min3A_308 = vector.broadcast %min3A_307 : f32 to vector<16xf32>
        %min3A_309 = arith.minimumf %max3A_306, %min3A_308 : vector<16xf32>
        %bitcast_convert_type3A_310 = tpu.bitcast %min3A_309 : vector<16xf32> -> vector<16xi32>
        %shift_right_arithmetic3A_311 = arith.constant 23 : i32
        %shift_right_arithmetic3A_312 = vector.broadcast %shift_right_arithmetic3A_311 : i32 to vector<16xi32>
        %shift_right_arithmetic3A_313 = arith.shrsi %bitcast_convert_type3A_310, %shift_right_arithmetic3A_312 : vector<16xi32>
        %and3A_314 = arith.constant 8388607 : i32
        %and3A_315 = vector.broadcast %and3A_314 : i32 to vector<16xi32>
        %and3A_316 = arith.andi %bitcast_convert_type3A_310, %and3A_315 : vector<16xi32>
        %or3A_317 = arith.constant 1065353216 : i32
        %or3A_318 = vector.broadcast %or3A_317 : i32 to vector<16xi32>
        %or3A_319 = arith.ori %and3A_316, %or3A_318 : vector<16xi32>
        %bitcast_convert_type3A_320 = tpu.bitcast %or3A_319 : vector<16xi32> -> vector<16xf32>
        %sub3A_321 = arith.constant 1.000000e+00 : f32
        %sub3A_322 = vector.broadcast %sub3A_321 : f32 to vector<16xf32>
        %sub3A_323 = arith.subf %bitcast_convert_type3A_320, %sub3A_322 : vector<16xf32>
        %mul3A_324 = arith.constant 0.112550147 : f32
        %mul3A_325 = vector.broadcast %mul3A_324 : f32 to vector<16xf32>
        %mul3A_326 = arith.mulf %mul3A_325, %sub3A_323 : vector<16xf32>
        %add3A_327 = arith.constant -0.392166734 : f32
        %add3A_328 = vector.broadcast %add3A_327 : f32 to vector<16xf32>
        %add3A_329 = arith.addf %mul3A_326, %add3A_328 : vector<16xf32>
        %mul3A_330 = arith.mulf %add3A_329, %sub3A_323 : vector<16xf32>
        %add3A_331 = arith.constant 0.973550856 : f32
        %add3A_332 = vector.broadcast %add3A_331 : f32 to vector<16xf32>
        %add3A_333 = arith.addf %mul3A_330, %add3A_332 : vector<16xf32>
        %mul3A_334 = arith.mulf %add3A_333, %sub3A_323 : vector<16xf32>
        %add3A_335 = arith.constant -88.0287704 : f32
        %add3A_336 = vector.broadcast %add3A_335 : f32 to vector<16xf32>
        %add3A_337 = arith.addf %mul3A_334, %add3A_336 : vector<16xf32>
        %convert_element_type3A_338 = arith.sitofp %shift_right_arithmetic3A_313 : vector<16xi32> to vector<16xf32>
        %mul3A_339 = arith.constant 0.693147182 : f32
        %mul3A_340 = vector.broadcast %mul3A_339 : f32 to vector<16xf32>
        %mul3A_341 = arith.mulf %convert_element_type3A_338, %mul3A_340 : vector<16xf32>
        %add3A_342 = arith.addf %mul3A_341, %add3A_337 : vector<16xf32>
        %mul3A_343 = arith.mulf %get3A_303, %add3A_342 : vector<16xf32>
        %add3A_344 = arith.addf %scan3A_135, %mul3A_343 : vector<16xf32>
        %get3A_345 = arith.constant 4 : i32
        %get3A_346 = arith.index_cast %scan3A_112 : i32 to index
        %get3A_347 = arith.index_cast %get3A_345 : i32 to index
        %get3A_348 = arith.index_cast %mul3A_141 : i32 to index
        %get3A_349 = tpu.vector_load %arg7[%get3A_346, %get3A_347, %get3A_348] {strides = array<i32>} : memref<2x26x128xf32, #tpu.memory_space<vmem>>, vector<1x1x16xf32>,
        %get3A_350 = vector.shape_cast %get3A_349 : vector<1x1x16xf32> to vector<16xf32>
        %get3A_351 = arith.constant 4 : i32
        %get3A_352 = arith.index_cast %scan3A_112 : i32 to index
        %get3A_353 = arith.index_cast %get3A_351 : i32 to index
        %get3A_354 = arith.index_cast %mul3A_141 : i32 to index
        %get3A_355 = tpu.vector_load %arg8[%get3A_352, %get3A_353, %get3A_354] {strides = array<i32>} : memref<2x26x128xf32, #tpu.memory_space<vmem>>, vector<1x1x16xf32>,
        %get3A_356 = vector.shape_cast %get3A_355 : vector<1x1x16xf32> to vector<16xf32>
        %max3A_357 = arith.constant 0.00999999977 : f32
        %max3A_358 = vector.broadcast %max3A_357 : f32 to vector<16xf32>
        %max3A_359 = arith.maximumf %get3A_350, %max3A_358 : vector<16xf32>
        %min3A_360 = arith.constant 9.900000e-01 : f32
        %min3A_361 = vector.broadcast %min3A_360 : f32 to vector<16xf32>
        %min3A_362 = arith.minimumf %max3A_359, %min3A_361 : vector<16xf32>
        %bitcast_convert_type3A_363 = tpu.bitcast %min3A_362 : vector<16xf32> -> vector<16xi32>
        %shift_right_arithmetic3A_364 = arith.constant 23 : i32
        %shift_right_arithmetic3A_365 = vector.broadcast %shift_right_arithmetic3A_364 : i32 to vector<16xi32>
        %shift_right_arithmetic3A_366 = arith.shrsi %bitcast_convert_type3A_363, %shift_right_arithmetic3A_365 : vector<16xi32>
        %and3A_367 = arith.constant 8388607 : i32
        %and3A_368 = vector.broadcast %and3A_367 : i32 to vector<16xi32>
        %and3A_369 = arith.andi %bitcast_convert_type3A_363, %and3A_368 : vector<16xi32>
        %or3A_370 = arith.constant 1065353216 : i32
        %or3A_371 = vector.broadcast %or3A_370 : i32 to vector<16xi32>
        %or3A_372 = arith.ori %and3A_369, %or3A_371 : vector<16xi32>
        %bitcast_convert_type3A_373 = tpu.bitcast %or3A_372 : vector<16xi32> -> vector<16xf32>
        %sub3A_374 = arith.constant 1.000000e+00 : f32
        %sub3A_375 = vector.broadcast %sub3A_374 : f32 to vector<16xf32>
        %sub3A_376 = arith.subf %bitcast_convert_type3A_373, %sub3A_375 : vector<16xf32>
        %mul3A_377 = arith.constant 0.112550147 : f32
        %mul3A_378 = vector.broadcast %mul3A_377 : f32 to vector<16xf32>
        %mul3A_379 = arith.mulf %mul3A_378, %sub3A_376 : vector<16xf32>
        %add3A_380 = arith.constant -0.392166734 : f32
        %add3A_381 = vector.broadcast %add3A_380 : f32 to vector<16xf32>
        %add3A_382 = arith.addf %mul3A_379, %add3A_381 : vector<16xf32>
        %mul3A_383 = arith.mulf %add3A_382, %sub3A_376 : vector<16xf32>
        %add3A_384 = arith.constant 0.973550856 : f32
        %add3A_385 = vector.broadcast %add3A_384 : f32 to vector<16xf32>
        %add3A_386 = arith.addf %mul3A_383, %add3A_385 : vector<16xf32>
        %mul3A_387 = arith.mulf %add3A_386, %sub3A_376 : vector<16xf32>
        %add3A_388 = arith.constant -88.0287704 : f32
        %add3A_389 = vector.broadcast %add3A_388 : f32 to vector<16xf32>
        %add3A_390 = arith.addf %mul3A_387, %add3A_389 : vector<16xf32>
        %convert_element_type3A_391 = arith.sitofp %shift_right_arithmetic3A_366 : vector<16xi32> to vector<16xf32>
        %mul3A_392 = arith.constant 0.693147182 : f32
        %mul3A_393 = vector.broadcast %mul3A_392 : f32 to vector<16xf32>
        %mul3A_394 = arith.mulf %convert_element_type3A_391, %mul3A_393 : vector<16xf32>
        %add3A_395 = arith.addf %mul3A_394, %add3A_390 : vector<16xf32>
        %mul3A_396 = arith.mulf %get3A_356, %add3A_395 : vector<16xf32>
        %add3A_397 = arith.addf %scan3A_136, %mul3A_396 : vector<16xf32>
        %get3A_398 = arith.constant 5 : i32
        %get3A_399 = arith.index_cast %scan3A_112 : i32 to index
        %get3A_400 = arith.index_cast %get3A_398 : i32 to index
        %get3A_401 = arith.index_cast %mul3A_141 : i32 to index
        %get3A_402 = tpu.vector_load %arg7[%get3A_399, %get3A_400, %get3A_401] {strides = array<i32>} : memref<2x26x128xf32, #tpu.memory_space<vmem>>, vector<1x1x16xf32>,
        %get3A_403 = vector.shape_cast %get3A_402 : vector<1x1x16xf32> to vector<16xf32>
        %get3A_404 = arith.constant 5 : i32
        %get3A_405 = arith.index_cast %scan3A_112 : i32 to index
        %get3A_406 = arith.index_cast %get3A_404 : i32 to index
        %get3A_407 = arith.index_cast %mul3A_141 : i32 to index
        %get3A_408 = tpu.vector_load %arg8[%get3A_405, %get3A_406, %get3A_407] {strides = array<i32>} : memref<2x26x128xf32, #tpu.memory_space<vmem>>, vector<1x1x16xf32>,
        %get3A_409 = vector.shape_cast %get3A_408 : vector<1x1x16xf32> to vector<16xf32>
        %max3A_410 = arith.constant 0.00999999977 : f32
        %max3A_411 = vector.broadcast %max3A_410 : f32 to vector<16xf32>
        %max3A_412 = arith.maximumf %get3A_403, %max3A_411 : vector<16xf32>
        %min3A_413 = arith.constant 9.900000e-01 : f32
        %min3A_414 = vector.broadcast %min3A_413 : f32 to vector<16xf32>
        %min3A_415 = arith.minimumf %max3A_412, %min3A_414 : vector<16xf32>
        %bitcast_convert_type3A_416 = tpu.bitcast %min3A_415 : vector<16xf32> -> vector<16xi32>
        %shift_right_arithmetic3A_417 = arith.constant 23 : i32
        %shift_right_arithmetic3A_418 = vector.broadcast %shift_right_arithmetic3A_417 : i32 to vector<16xi32>
        %shift_right_arithmetic3A_419 = arith.shrsi %bitcast_convert_type3A_416, %shift_right_arithmetic3A_418 : vector<16xi32>
        %and3A_420 = arith.constant 8388607 : i32
        %and3A_421 = vector.broadcast %and3A_420 : i32 to vector<16xi32>
        %and3A_422 = arith.andi %bitcast_convert_type3A_416, %and3A_421 : vector<16xi32>
        %or3A_423 = arith.constant 1065353216 : i32
        %or3A_424 = vector.broadcast %or3A_423 : i32 to vector<16xi32>
        %or3A_425 = arith.ori %and3A_422, %or3A_424 : vector<16xi32>
        %bitcast_convert_type3A_426 = tpu.bitcast %or3A_425 : vector<16xi32> -> vector<16xf32>
        %sub3A_427 = arith.constant 1.000000e+00 : f32
        %sub3A_428 = vector.broadcast %sub3A_427 : f32 to vector<16xf32>
        %sub3A_429 = arith.subf %bitcast_convert_type3A_426, %sub3A_428 : vector<16xf32>
        %mul3A_430 = arith.constant 0.112550147 : f32
        %mul3A_431 = vector.broadcast %mul3A_430 : f32 to vector<16xf32>
        %mul3A_432 = arith.mulf %mul3A_431, %sub3A_429 : vector<16xf32>
        %add3A_433 = arith.constant -0.392166734 : f32
        %add3A_434 = vector.broadcast %add3A_433 : f32 to vector<16xf32>
        %add3A_435 = arith.addf %mul3A_432, %add3A_434 : vector<16xf32>
        %mul3A_436 = arith.mulf %add3A_435, %sub3A_429 : vector<16xf32>
        %add3A_437 = arith.constant 0.973550856 : f32
        %add3A_438 = vector.broadcast %add3A_437 : f32 to vector<16xf32>
        %add3A_439 = arith.addf %mul3A_436, %add3A_438 : vector<16xf32>
        %mul3A_440 = arith.mulf %add3A_439, %sub3A_429 : vector<16xf32>
        %add3A_441 = arith.constant -88.0287704 : f32
        %add3A_442 = vector.broadcast %add3A_441 : f32 to vector<16xf32>
        %add3A_443 = arith.addf %mul3A_440, %add3A_442 : vector<16xf32>
        %convert_element_type3A_444 = arith.sitofp %shift_right_arithmetic3A_419 : vector<16xi32> to vector<16xf32>
        %mul3A_445 = arith.constant 0.693147182 : f32
        %mul3A_446 = vector.broadcast %mul3A_445 : f32 to vector<16xf32>
        %mul3A_447 = arith.mulf %convert_element_type3A_444, %mul3A_446 : vector<16xf32>
        %add3A_448 = arith.addf %mul3A_447, %add3A_443 : vector<16xf32>
        %mul3A_449 = arith.mulf %get3A_409, %add3A_448 : vector<16xf32>
        %add3A_450 = arith.addf %scan3A_137, %mul3A_449 : vector<16xf32>
        %get3A_451 = arith.constant 6 : i32
        %get3A_452 = arith.index_cast %scan3A_112 : i32 to index
        %get3A_453 = arith.index_cast %get3A_451 : i32 to index
        %get3A_454 = arith.index_cast %mul3A_141 : i32 to index
        %get3A_455 = tpu.vector_load %arg7[%get3A_452, %get3A_453, %get3A_454] {strides = array<i32>} : memref<2x26x128xf32, #tpu.memory_space<vmem>>, vector<1x1x16xf32>,
        %get3A_456 = vector.shape_cast %get3A_455 : vector<1x1x16xf32> to vector<16xf32>
        %get3A_457 = arith.constant 6 : i32
        %get3A_458 = arith.index_cast %scan3A_112 : i32 to index
        %get3A_459 = arith.index_cast %get3A_457 : i32 to index
        %get3A_460 = arith.index_cast %mul3A_141 : i32 to index
        %get3A_461 = tpu.vector_load %arg8[%get3A_458, %get3A_459, %get3A_460] {strides = array<i32>} : memref<2x26x128xf32, #tpu.memory_space<vmem>>, vector<1x1x16xf32>,
        %get3A_462 = vector.shape_cast %get3A_461 : vector<1x1x16xf32> to vector<16xf32>
        %max3A_463 = arith.constant 0.00999999977 : f32
        %max3A_464 = vector.broadcast %max3A_463 : f32 to vector<16xf32>
        %max3A_465 = arith.maximumf %get3A_456, %max3A_464 : vector<16xf32>
        %min3A_466 = arith.constant 9.900000e-01 : f32
        %min3A_467 = vector.broadcast %min3A_466 : f32 to vector<16xf32>
        %min3A_468 = arith.minimumf %max3A_465, %min3A_467 : vector<16xf32>
        %bitcast_convert_type3A_469 = tpu.bitcast %min3A_468 : vector<16xf32> -> vector<16xi32>
        %shift_right_arithmetic3A_470 = arith.constant 23 : i32
        %shift_right_arithmetic3A_471 = vector.broadcast %shift_right_arithmetic3A_470 : i32 to vector<16xi32>
        %shift_right_arithmetic3A_472 = arith.shrsi %bitcast_convert_type3A_469, %shift_right_arithmetic3A_471 : vector<16xi32>
        %and3A_473 = arith.constant 8388607 : i32
        %and3A_474 = vector.broadcast %and3A_473 : i32 to vector<16xi32>
        %and3A_475 = arith.andi %bitcast_convert_type3A_469, %and3A_474 : vector<16xi32>
        %or3A_476 = arith.constant 1065353216 : i32
        %or3A_477 = vector.broadcast %or3A_476 : i32 to vector<16xi32>
        %or3A_478 = arith.ori %and3A_475, %or3A_477 : vector<16xi32>
        %bitcast_convert_type3A_479 = tpu.bitcast %or3A_478 : vector<16xi32> -> vector<16xf32>
        %sub3A_480 = arith.constant 1.000000e+00 : f32
        %sub3A_481 = vector.broadcast %sub3A_480 : f32 to vector<16xf32>
        %sub3A_482 = arith.subf %bitcast_convert_type3A_479, %sub3A_481 : vector<16xf32>
        %mul3A_483 = arith.constant 0.112550147 : f32
        %mul3A_484 = vector.broadcast %mul3A_483 : f32 to vector<16xf32>
        %mul3A_485 = arith.mulf %mul3A_484, %sub3A_482 : vector<16xf32>
        %add3A_486 = arith.constant -0.392166734 : f32
        %add3A_487 = vector.broadcast %add3A_486 : f32 to vector<16xf32>
        %add3A_488 = arith.addf %mul3A_485, %add3A_487 : vector<16xf32>
        %mul3A_489 = arith.mulf %add3A_488, %sub3A_482 : vector<16xf32>
        %add3A_490 = arith.constant 0.973550856 : f32
        %add3A_491 = vector.broadcast %add3A_490 : f32 to vector<16xf32>
        %add3A_492 = arith.addf %mul3A_489, %add3A_491 : vector<16xf32>
        %mul3A_493 = arith.mulf %add3A_492, %sub3A_482 : vector<16xf32>
        %add3A_494 = arith.constant -88.0287704 : f32
        %add3A_495 = vector.broadcast %add3A_494 : f32 to vector<16xf32>
        %add3A_496 = arith.addf %mul3A_493, %add3A_495 : vector<16xf32>
        %convert_element_type3A_497 = arith.sitofp %shift_right_arithmetic3A_472 : vector<16xi32> to vector<16xf32>
        %mul3A_498 = arith.constant 0.693147182 : f32
        %mul3A_499 = vector.broadcast %mul3A_498 : f32 to vector<16xf32>
        %mul3A_500 = arith.mulf %convert_element_type3A_497, %mul3A_499 : vector<16xf32>
        %add3A_501 = arith.addf %mul3A_500, %add3A_496 : vector<16xf32>
        %mul3A_502 = arith.mulf %get3A_462, %add3A_501 : vector<16xf32>
        %add3A_503 = arith.addf %scan3A_138, %mul3A_502 : vector<16xf32>
        %get3A_504 = arith.constant 7 : i32
        %get3A_505 = arith.index_cast %scan3A_112 : i32 to index
        %get3A_506 = arith.index_cast %get3A_504 : i32 to index
        %get3A_507 = arith.index_cast %mul3A_141 : i32 to index
        %get3A_508 = tpu.vector_load %arg7[%get3A_505, %get3A_506, %get3A_507] {strides = array<i32>} : memref<2x26x128xf32, #tpu.memory_space<vmem>>, vector<1x1x16xf32>,
        %get3A_509 = vector.shape_cast %get3A_508 : vector<1x1x16xf32> to vector<16xf32>
        %get3A_510 = arith.constant 7 : i32
        %get3A_511 = arith.index_cast %scan3A_112 : i32 to index
        %get3A_512 = arith.index_cast %get3A_510 : i32 to index
        %get3A_513 = arith.index_cast %mul3A_141 : i32 to index
        %get3A_514 = tpu.vector_load %arg8[%get3A_511, %get3A_512, %get3A_513] {strides = array<i32>} : memref<2x26x128xf32, #tpu.memory_space<vmem>>, vector<1x1x16xf32>,
        %get3A_515 = vector.shape_cast %get3A_514 : vector<1x1x16xf32> to vector<16xf32>
        %max3A_516 = arith.constant 0.00999999977 : f32
        %max3A_517 = vector.broadcast %max3A_516 : f32 to vector<16xf32>
        %max3A_518 = arith.maximumf %get3A_509, %max3A_517 : vector<16xf32>
        %min3A_519 = arith.constant 9.900000e-01 : f32
        %min3A_520 = vector.broadcast %min3A_519 : f32 to vector<16xf32>
        %min3A_521 = arith.minimumf %max3A_518, %min3A_520 : vector<16xf32>
        %bitcast_convert_type3A_522 = tpu.bitcast %min3A_521 : vector<16xf32> -> vector<16xi32>
        %shift_right_arithmetic3A_523 = arith.constant 23 : i32
        %shift_right_arithmetic3A_524 = vector.broadcast %shift_right_arithmetic3A_523 : i32 to vector<16xi32>
        %shift_right_arithmetic3A_525 = arith.shrsi %bitcast_convert_type3A_522, %shift_right_arithmetic3A_524 : vector<16xi32>
        %and3A_526 = arith.constant 8388607 : i32
        %and3A_527 = vector.broadcast %and3A_526 : i32 to vector<16xi32>
        %and3A_528 = arith.andi %bitcast_convert_type3A_522, %and3A_527 : vector<16xi32>
        %or3A_529 = arith.constant 1065353216 : i32
        %or3A_530 = vector.broadcast %or3A_529 : i32 to vector<16xi32>
        %or3A_531 = arith.ori %and3A_528, %or3A_530 : vector<16xi32>
        %bitcast_convert_type3A_532 = tpu.bitcast %or3A_531 : vector<16xi32> -> vector<16xf32>
        %sub3A_533 = arith.constant 1.000000e+00 : f32
        %sub3A_534 = vector.broadcast %sub3A_533 : f32 to vector<16xf32>
        %sub3A_535 = arith.subf %bitcast_convert_type3A_532, %sub3A_534 : vector<16xf32>
        %mul3A_536 = arith.constant 0.112550147 : f32
        %mul3A_537 = vector.broadcast %mul3A_536 : f32 to vector<16xf32>
        %mul3A_538 = arith.mulf %mul3A_537, %sub3A_535 : vector<16xf32>
        %add3A_539 = arith.constant -0.392166734 : f32
        %add3A_540 = vector.broadcast %add3A_539 : f32 to vector<16xf32>
        %add3A_541 = arith.addf %mul3A_538, %add3A_540 : vector<16xf32>
        %mul3A_542 = arith.mulf %add3A_541, %sub3A_535 : vector<16xf32>
        %add3A_543 = arith.constant 0.973550856 : f32
        %add3A_544 = vector.broadcast %add3A_543 : f32 to vector<16xf32>
        %add3A_545 = arith.addf %mul3A_542, %add3A_544 : vector<16xf32>
        %mul3A_546 = arith.mulf %add3A_545, %sub3A_535 : vector<16xf32>
        %add3A_547 = arith.constant -88.0287704 : f32
        %add3A_548 = vector.broadcast %add3A_547 : f32 to vector<16xf32>
        %add3A_549 = arith.addf %mul3A_546, %add3A_548 : vector<16xf32>
        %convert_element_type3A_550 = arith.sitofp %shift_right_arithmetic3A_525 : vector<16xi32> to vector<16xf32>
        %mul3A_551 = arith.constant 0.693147182 : f32
        %mul3A_552 = vector.broadcast %mul3A_551 : f32 to vector<16xf32>
        %mul3A_553 = arith.mulf %convert_element_type3A_550, %mul3A_552 : vector<16xf32>
        %add3A_554 = arith.addf %mul3A_553, %add3A_549 : vector<16xf32>
        %mul3A_555 = arith.mulf %get3A_515, %add3A_554 : vector<16xf32>
        %add3A_556 = arith.addf %scan3A_139, %mul3A_555 : vector<16xf32>
        %get3A_557 = arith.constant 8 : i32
        %get3A_558 = arith.index_cast %scan3A_112 : i32 to index
        %get3A_559 = arith.index_cast %get3A_557 : i32 to index
        %get3A_560 = arith.index_cast %mul3A_141 : i32 to index
        %get3A_561 = tpu.vector_load %arg7[%get3A_558, %get3A_559, %get3A_560] {strides = array<i32>} : memref<2x26x128xf32, #tpu.memory_space<vmem>>, vector<1x1x16xf32>,
        %get3A_562 = vector.shape_cast %get3A_561 : vector<1x1x16xf32> to vector<16xf32>
        %get3A_563 = arith.constant 8 : i32
        %get3A_564 = arith.index_cast %scan3A_112 : i32 to index
        %get3A_565 = arith.index_cast %get3A_563 : i32 to index
        %get3A_566 = arith.index_cast %mul3A_141 : i32 to index
        %get3A_567 = tpu.vector_load %arg8[%get3A_564, %get3A_565, %get3A_566] {strides = array<i32>} : memref<2x26x128xf32, #tpu.memory_space<vmem>>, vector<1x1x16xf32>,
        %get3A_568 = vector.shape_cast %get3A_567 : vector<1x1x16xf32> to vector<16xf32>
        %max3A_569 = arith.constant 0.00999999977 : f32
        %max3A_570 = vector.broadcast %max3A_569 : f32 to vector<16xf32>
        %max3A_571 = arith.maximumf %get3A_562, %max3A_570 : vector<16xf32>
        %min3A_572 = arith.constant 9.900000e-01 : f32
        %min3A_573 = vector.broadcast %min3A_572 : f32 to vector<16xf32>
        %min3A_574 = arith.minimumf %max3A_571, %min3A_573 : vector<16xf32>
        %bitcast_convert_type3A_575 = tpu.bitcast %min3A_574 : vector<16xf32> -> vector<16xi32>
        %shift_right_arithmetic3A_576 = arith.constant 23 : i32
        %shift_right_arithmetic3A_577 = vector.broadcast %shift_right_arithmetic3A_576 : i32 to vector<16xi32>
        %shift_right_arithmetic3A_578 = arith.shrsi %bitcast_convert_type3A_575, %shift_right_arithmetic3A_577 : vector<16xi32>
        %and3A_579 = arith.constant 8388607 : i32
        %and3A_580 = vector.broadcast %and3A_579 : i32 to vector<16xi32>
        %and3A_581 = arith.andi %bitcast_convert_type3A_575, %and3A_580 : vector<16xi32>
        %or3A_582 = arith.constant 1065353216 : i32
        %or3A_583 = vector.broadcast %or3A_582 : i32 to vector<16xi32>
        %or3A_584 = arith.ori %and3A_581, %or3A_583 : vector<16xi32>
        %bitcast_convert_type3A_585 = tpu.bitcast %or3A_584 : vector<16xi32> -> vector<16xf32>
        %sub3A_586 = arith.constant 1.000000e+00 : f32
        %sub3A_587 = vector.broadcast %sub3A_586 : f32 to vector<16xf32>
        %sub3A_588 = arith.subf %bitcast_convert_type3A_585, %sub3A_587 : vector<16xf32>
        %mul3A_589 = arith.constant 0.112550147 : f32
        %mul3A_590 = vector.broadcast %mul3A_589 : f32 to vector<16xf32>
        %mul3A_591 = arith.mulf %mul3A_590, %sub3A_588 : vector<16xf32>
        %add3A_592 = arith.constant -0.392166734 : f32
        %add3A_593 = vector.broadcast %add3A_592 : f32 to vector<16xf32>
        %add3A_594 = arith.addf %mul3A_591, %add3A_593 : vector<16xf32>
        %mul3A_595 = arith.mulf %add3A_594, %sub3A_588 : vector<16xf32>
        %add3A_596 = arith.constant 0.973550856 : f32
        %add3A_597 = vector.broadcast %add3A_596 : f32 to vector<16xf32>
        %add3A_598 = arith.addf %mul3A_595, %add3A_597 : vector<16xf32>
        %mul3A_599 = arith.mulf %add3A_598, %sub3A_588 : vector<16xf32>
        %add3A_600 = arith.constant -88.0287704 : f32
        %add3A_601 = vector.broadcast %add3A_600 : f32 to vector<16xf32>
        %add3A_602 = arith.addf %mul3A_599, %add3A_601 : vector<16xf32>
        %convert_element_type3A_603 = arith.sitofp %shift_right_arithmetic3A_578 : vector<16xi32> to vector<16xf32>
        %mul3A_604 = arith.constant 0.693147182 : f32
        %mul3A_605 = vector.broadcast %mul3A_604 : f32 to vector<16xf32>
        %mul3A_606 = arith.mulf %convert_element_type3A_603, %mul3A_605 : vector<16xf32>
        %add3A_607 = arith.addf %mul3A_606, %add3A_602 : vector<16xf32>
        %mul3A_608 = arith.mulf %get3A_568, %add3A_607 : vector<16xf32>
        %add3A_609 = arith.addf %add3A_185, %mul3A_608 : vector<16xf32>
        %get3A_610 = arith.constant 9 : i32
        %get3A_611 = arith.index_cast %scan3A_112 : i32 to index
        %get3A_612 = arith.index_cast %get3A_610 : i32 to index
        %get3A_613 = arith.index_cast %mul3A_141 : i32 to index
        %get3A_614 = tpu.vector_load %arg7[%get3A_611, %get3A_612, %get3A_613] {strides = array<i32>} : memref<2x26x128xf32, #tpu.memory_space<vmem>>, vector<1x1x16xf32>,
        %get3A_615 = vector.shape_cast %get3A_614 : vector<1x1x16xf32> to vector<16xf32>
        %get3A_616 = arith.constant 9 : i32
        %get3A_617 = arith.index_cast %scan3A_112 : i32 to index
        %get3A_618 = arith.index_cast %get3A_616 : i32 to index
        %get3A_619 = arith.index_cast %mul3A_141 : i32 to index
        %get3A_620 = tpu.vector_load %arg8[%get3A_617, %get3A_618, %get3A_619] {strides = array<i32>} : memref<2x26x128xf32, #tpu.memory_space<vmem>>, vector<1x1x16xf32>,
        %get3A_621 = vector.shape_cast %get3A_620 : vector<1x1x16xf32> to vector<16xf32>
        %max3A_622 = arith.constant 0.00999999977 : f32
        %max3A_623 = vector.broadcast %max3A_622 : f32 to vector<16xf32>
        %max3A_624 = arith.maximumf %get3A_615, %max3A_623 : vector<16xf32>
        %min3A_625 = arith.constant 9.900000e-01 : f32
        %min3A_626 = vector.broadcast %min3A_625 : f32 to vector<16xf32>
        %min3A_627 = arith.minimumf %max3A_624, %min3A_626 : vector<16xf32>
        %bitcast_convert_type3A_628 = tpu.bitcast %min3A_627 : vector<16xf32> -> vector<16xi32>
        %shift_right_arithmetic3A_629 = arith.constant 23 : i32
        %shift_right_arithmetic3A_630 = vector.broadcast %shift_right_arithmetic3A_629 : i32 to vector<16xi32>
        %shift_right_arithmetic3A_631 = arith.shrsi %bitcast_convert_type3A_628, %shift_right_arithmetic3A_630 : vector<16xi32>
        %and3A_632 = arith.constant 8388607 : i32
        %and3A_633 = vector.broadcast %and3A_632 : i32 to vector<16xi32>
        %and3A_634 = arith.andi %bitcast_convert_type3A_628, %and3A_633 : vector<16xi32>
        %or3A_635 = arith.constant 1065353216 : i32
        %or3A_636 = vector.broadcast %or3A_635 : i32 to vector<16xi32>
        %or3A_637 = arith.ori %and3A_634, %or3A_636 : vector<16xi32>
        %bitcast_convert_type3A_638 = tpu.bitcast %or3A_637 : vector<16xi32> -> vector<16xf32>
        %sub3A_639 = arith.constant 1.000000e+00 : f32
        %sub3A_640 = vector.broadcast %sub3A_639 : f32 to vector<16xf32>
        %sub3A_641 = arith.subf %bitcast_convert_type3A_638, %sub3A_640 : vector<16xf32>
        %mul3A_642 = arith.constant 0.112550147 : f32
        %mul3A_643 = vector.broadcast %mul3A_642 : f32 to vector<16xf32>
        %mul3A_644 = arith.mulf %mul3A_643, %sub3A_641 : vector<16xf32>
        %add3A_645 = arith.constant -0.392166734 : f32
        %add3A_646 = vector.broadcast %add3A_645 : f32 to vector<16xf32>
        %add3A_647 = arith.addf %mul3A_644, %add3A_646 : vector<16xf32>
        %mul3A_648 = arith.mulf %add3A_647, %sub3A_641 : vector<16xf32>
        %add3A_649 = arith.constant 0.973550856 : f32
        %add3A_650 = vector.broadcast %add3A_649 : f32 to vector<16xf32>
        %add3A_651 = arith.addf %mul3A_648, %add3A_650 : vector<16xf32>
        %mul3A_652 = arith.mulf %add3A_651, %sub3A_641 : vector<16xf32>
        %add3A_653 = arith.constant -88.0287704 : f32
        %add3A_654 = vector.broadcast %add3A_653 : f32 to vector<16xf32>
        %add3A_655 = arith.addf %mul3A_652, %add3A_654 : vector<16xf32>
        %convert_element_type3A_656 = arith.sitofp %shift_right_arithmetic3A_631 : vector<16xi32> to vector<16xf32>
        %mul3A_657 = arith.constant 0.693147182 : f32
        %mul3A_658 = vector.broadcast %mul3A_657 : f32 to vector<16xf32>
        %mul3A_659 = arith.mulf %convert_element_type3A_656, %mul3A_658 : vector<16xf32>
        %add3A_660 = arith.addf %mul3A_659, %add3A_655 : vector<16xf32>
        %mul3A_661 = arith.mulf %get3A_621, %add3A_660 : vector<16xf32>
        %add3A_662 = arith.addf %add3A_238, %mul3A_661 : vector<16xf32>
        %get3A_663 = arith.constant 10 : i32
        %get3A_664 = arith.index_cast %scan3A_112 : i32 to index
        %get3A_665 = arith.index_cast %get3A_663 : i32 to index
        %get3A_666 = arith.index_cast %mul3A_141 : i32 to index
        %get3A_667 = tpu.vector_load %arg7[%get3A_664, %get3A_665, %get3A_666] {strides = array<i32>} : memref<2x26x128xf32, #tpu.memory_space<vmem>>, vector<1x1x16xf32>,
        %get3A_668 = vector.shape_cast %get3A_667 : vector<1x1x16xf32> to vector<16xf32>
        %get3A_669 = arith.constant 10 : i32
        %get3A_670 = arith.index_cast %scan3A_112 : i32 to index
        %get3A_671 = arith.index_cast %get3A_669 : i32 to index
        %get3A_672 = arith.index_cast %mul3A_141 : i32 to index
        %get3A_673 = tpu.vector_load %arg8[%get3A_670, %get3A_671, %get3A_672] {strides = array<i32>} : memref<2x26x128xf32, #tpu.memory_space<vmem>>, vector<1x1x16xf32>,
        %get3A_674 = vector.shape_cast %get3A_673 : vector<1x1x16xf32> to vector<16xf32>
        %max3A_675 = arith.constant 0.00999999977 : f32
        %max3A_676 = vector.broadcast %max3A_675 : f32 to vector<16xf32>
        %max3A_677 = arith.maximumf %get3A_668, %max3A_676 : vector<16xf32>
        %min3A_678 = arith.constant 9.900000e-01 : f32
        %min3A_679 = vector.broadcast %min3A_678 : f32 to vector<16xf32>
        %min3A_680 = arith.minimumf %max3A_677, %min3A_679 : vector<16xf32>
        %bitcast_convert_type3A_681 = tpu.bitcast %min3A_680 : vector<16xf32> -> vector<16xi32>
        %shift_right_arithmetic3A_682 = arith.constant 23 : i32
        %shift_right_arithmetic3A_683 = vector.broadcast %shift_right_arithmetic3A_682 : i32 to vector<16xi32>
        %shift_right_arithmetic3A_684 = arith.shrsi %bitcast_convert_type3A_681, %shift_right_arithmetic3A_683 : vector<16xi32>
        %and3A_685 = arith.constant 8388607 : i32
        %and3A_686 = vector.broadcast %and3A_685 : i32 to vector<16xi32>
        %and3A_687 = arith.andi %bitcast_convert_type3A_681, %and3A_686 : vector<16xi32>
        %or3A_688 = arith.constant 1065353216 : i32
        %or3A_689 = vector.broadcast %or3A_688 : i32 to vector<16xi32>
        %or3A_690 = arith.ori %and3A_687, %or3A_689 : vector<16xi32>
        %bitcast_convert_type3A_691 = tpu.bitcast %or3A_690 : vector<16xi32> -> vector<16xf32>
        %sub3A_692 = arith.constant 1.000000e+00 : f32
        %sub3A_693 = vector.broadcast %sub3A_692 : f32 to vector<16xf32>
        %sub3A_694 = arith.subf %bitcast_convert_type3A_691, %sub3A_693 : vector<16xf32>
        %mul3A_695 = arith.constant 0.112550147 : f32
        %mul3A_696 = vector.broadcast %mul3A_695 : f32 to vector<16xf32>
        %mul3A_697 = arith.mulf %mul3A_696, %sub3A_694 : vector<16xf32>
        %add3A_698 = arith.constant -0.392166734 : f32
        %add3A_699 = vector.broadcast %add3A_698 : f32 to vector<16xf32>
        %add3A_700 = arith.addf %mul3A_697, %add3A_699 : vector<16xf32>
        %mul3A_701 = arith.mulf %add3A_700, %sub3A_694 : vector<16xf32>
        %add3A_702 = arith.constant 0.973550856 : f32
        %add3A_703 = vector.broadcast %add3A_702 : f32 to vector<16xf32>
        %add3A_704 = arith.addf %mul3A_701, %add3A_703 : vector<16xf32>
        %mul3A_705 = arith.mulf %add3A_704, %sub3A_694 : vector<16xf32>
        %add3A_706 = arith.constant -88.0287704 : f32
        %add3A_707 = vector.broadcast %add3A_706 : f32 to vector<16xf32>
        %add3A_708 = arith.addf %mul3A_705, %add3A_707 : vector<16xf32>
        %convert_element_type3A_709 = arith.sitofp %shift_right_arithmetic3A_684 : vector<16xi32> to vector<16xf32>
        %mul3A_710 = arith.constant 0.693147182 : f32
        %mul3A_711 = vector.broadcast %mul3A_710 : f32 to vector<16xf32>
        %mul3A_712 = arith.mulf %convert_element_type3A_709, %mul3A_711 : vector<16xf32>
        %add3A_713 = arith.addf %mul3A_712, %add3A_708 : vector<16xf32>
        %mul3A_714 = arith.mulf %get3A_674, %add3A_713 : vector<16xf32>
        %add3A_715 = arith.addf %add3A_291, %mul3A_714 : vector<16xf32>
        %get3A_716 = arith.constant 11 : i32
        %get3A_717 = arith.index_cast %scan3A_112 : i32 to index
        %get3A_718 = arith.index_cast %get3A_716 : i32 to index
        %get3A_719 = arith.index_cast %mul3A_141 : i32 to index
        %get3A_720 = tpu.vector_load %arg7[%get3A_717, %get3A_718, %get3A_719] {strides = array<i32>} : memref<2x26x128xf32, #tpu.memory_space<vmem>>, vector<1x1x16xf32>,
        %get3A_721 = vector.shape_cast %get3A_720 : vector<1x1x16xf32> to vector<16xf32>
        %get3A_722 = arith.constant 11 : i32
        %get3A_723 = arith.index_cast %scan3A_112 : i32 to index
        %get3A_724 = arith.index_cast %get3A_722 : i32 to index
        %get3A_725 = arith.index_cast %mul3A_141 : i32 to index
        %get3A_726 = tpu.vector_load %arg8[%get3A_723, %get3A_724, %get3A_725] {strides = array<i32>} : memref<2x26x128xf32, #tpu.memory_space<vmem>>, vector<1x1x16xf32>,
        %get3A_727 = vector.shape_cast %get3A_726 : vector<1x1x16xf32> to vector<16xf32>
        %max3A_728 = arith.constant 0.00999999977 : f32
        %max3A_729 = vector.broadcast %max3A_728 : f32 to vector<16xf32>
        %max3A_730 = arith.maximumf %get3A_721, %max3A_729 : vector<16xf32>
        %min3A_731 = arith.constant 9.900000e-01 : f32
        %min3A_732 = vector.broadcast %min3A_731 : f32 to vector<16xf32>
        %min3A_733 = arith.minimumf %max3A_730, %min3A_732 : vector<16xf32>
        %bitcast_convert_type3A_734 = tpu.bitcast %min3A_733 : vector<16xf32> -> vector<16xi32>
        %shift_right_arithmetic3A_735 = arith.constant 23 : i32
        %shift_right_arithmetic3A_736 = vector.broadcast %shift_right_arithmetic3A_735 : i32 to vector<16xi32>
        %shift_right_arithmetic3A_737 = arith.shrsi %bitcast_convert_type3A_734, %shift_right_arithmetic3A_736 : vector<16xi32>
        %and3A_738 = arith.constant 8388607 : i32
        %and3A_739 = vector.broadcast %and3A_738 : i32 to vector<16xi32>
        %and3A_740 = arith.andi %bitcast_convert_type3A_734, %and3A_739 : vector<16xi32>
        %or3A_741 = arith.constant 1065353216 : i32
        %or3A_742 = vector.broadcast %or3A_741 : i32 to vector<16xi32>
        %or3A_743 = arith.ori %and3A_740, %or3A_742 : vector<16xi32>
        %bitcast_convert_type3A_744 = tpu.bitcast %or3A_743 : vector<16xi32> -> vector<16xf32>
        %sub3A_745 = arith.constant 1.000000e+00 : f32
        %sub3A_746 = vector.broadcast %sub3A_745 : f32 to vector<16xf32>
        %sub3A_747 = arith.subf %bitcast_convert_type3A_744, %sub3A_746 : vector<16xf32>
        %mul3A_748 = arith.constant 0.112550147 : f32
        %mul3A_749 = vector.broadcast %mul3A_748 : f32 to vector<16xf32>
        %mul3A_750 = arith.mulf %mul3A_749, %sub3A_747 : vector<16xf32>
        %add3A_751 = arith.constant -0.392166734 : f32
        %add3A_752 = vector.broadcast %add3A_751 : f32 to vector<16xf32>
        %add3A_753 = arith.addf %mul3A_750, %add3A_752 : vector<16xf32>
        %mul3A_754 = arith.mulf %add3A_753, %sub3A_747 : vector<16xf32>
        %add3A_755 = arith.constant 0.973550856 : f32
        %add3A_756 = vector.broadcast %add3A_755 : f32 to vector<16xf32>
        %add3A_757 = arith.addf %mul3A_754, %add3A_756 : vector<16xf32>
        %mul3A_758 = arith.mulf %add3A_757, %sub3A_747 : vector<16xf32>
        %add3A_759 = arith.constant -88.0287704 : f32
        %add3A_760 = vector.broadcast %add3A_759 : f32 to vector<16xf32>
        %add3A_761 = arith.addf %mul3A_758, %add3A_760 : vector<16xf32>
        %convert_element_type3A_762 = arith.sitofp %shift_right_arithmetic3A_737 : vector<16xi32> to vector<16xf32>
        %mul3A_763 = arith.constant 0.693147182 : f32
        %mul3A_764 = vector.broadcast %mul3A_763 : f32 to vector<16xf32>
        %mul3A_765 = arith.mulf %convert_element_type3A_762, %mul3A_764 : vector<16xf32>
        %add3A_766 = arith.addf %mul3A_765, %add3A_761 : vector<16xf32>
        %mul3A_767 = arith.mulf %get3A_727, %add3A_766 : vector<16xf32>
        %add3A_768 = arith.addf %add3A_344, %mul3A_767 : vector<16xf32>
        %get3A_769 = arith.constant 12 : i32
        %get3A_770 = arith.index_cast %scan3A_112 : i32 to index
        %get3A_771 = arith.index_cast %get3A_769 : i32 to index
        %get3A_772 = arith.index_cast %mul3A_141 : i32 to index
        %get3A_773 = tpu.vector_load %arg7[%get3A_770, %get3A_771, %get3A_772] {strides = array<i32>} : memref<2x26x128xf32, #tpu.memory_space<vmem>>, vector<1x1x16xf32>,
        %get3A_774 = vector.shape_cast %get3A_773 : vector<1x1x16xf32> to vector<16xf32>
        %get3A_775 = arith.constant 12 : i32
        %get3A_776 = arith.index_cast %scan3A_112 : i32 to index
        %get3A_777 = arith.index_cast %get3A_775 : i32 to index
        %get3A_778 = arith.index_cast %mul3A_141 : i32 to index
        %get3A_779 = tpu.vector_load %arg8[%get3A_776, %get3A_777, %get3A_778] {strides = array<i32>} : memref<2x26x128xf32, #tpu.memory_space<vmem>>, vector<1x1x16xf32>,
        %get3A_780 = vector.shape_cast %get3A_779 : vector<1x1x16xf32> to vector<16xf32>
        %max3A_781 = arith.constant 0.00999999977 : f32
        %max3A_782 = vector.broadcast %max3A_781 : f32 to vector<16xf32>
        %max3A_783 = arith.maximumf %get3A_774, %max3A_782 : vector<16xf32>
        %min3A_784 = arith.constant 9.900000e-01 : f32
        %min3A_785 = vector.broadcast %min3A_784 : f32 to vector<16xf32>
        %min3A_786 = arith.minimumf %max3A_783, %min3A_785 : vector<16xf32>
        %bitcast_convert_type3A_787 = tpu.bitcast %min3A_786 : vector<16xf32> -> vector<16xi32>
        %shift_right_arithmetic3A_788 = arith.constant 23 : i32
        %shift_right_arithmetic3A_789 = vector.broadcast %shift_right_arithmetic3A_788 : i32 to vector<16xi32>
        %shift_right_arithmetic3A_790 = arith.shrsi %bitcast_convert_type3A_787, %shift_right_arithmetic3A_789 : vector<16xi32>
        %and3A_791 = arith.constant 8388607 : i32
        %and3A_792 = vector.broadcast %and3A_791 : i32 to vector<16xi32>
        %and3A_793 = arith.andi %bitcast_convert_type3A_787, %and3A_792 : vector<16xi32>
        %or3A_794 = arith.constant 1065353216 : i32
        %or3A_795 = vector.broadcast %or3A_794 : i32 to vector<16xi32>
        %or3A_796 = arith.ori %and3A_793, %or3A_795 : vector<16xi32>
        %bitcast_convert_type3A_797 = tpu.bitcast %or3A_796 : vector<16xi32> -> vector<16xf32>
        %sub3A_798 = arith.constant 1.000000e+00 : f32
        %sub3A_799 = vector.broadcast %sub3A_798 : f32 to vector<16xf32>
        %sub3A_800 = arith.subf %bitcast_convert_type3A_797, %sub3A_799 : vector<16xf32>
        %mul3A_801 = arith.constant 0.112550147 : f32
        %mul3A_802 = vector.broadcast %mul3A_801 : f32 to vector<16xf32>
        %mul3A_803 = arith.mulf %mul3A_802, %sub3A_800 : vector<16xf32>
        %add3A_804 = arith.constant -0.392166734 : f32
        %add3A_805 = vector.broadcast %add3A_804 : f32 to vector<16xf32>
        %add3A_806 = arith.addf %mul3A_803, %add3A_805 : vector<16xf32>
        %mul3A_807 = arith.mulf %add3A_806, %sub3A_800 : vector<16xf32>
        %add3A_808 = arith.constant 0.973550856 : f32
        %add3A_809 = vector.broadcast %add3A_808 : f32 to vector<16xf32>
        %add3A_810 = arith.addf %mul3A_807, %add3A_809 : vector<16xf32>
        %mul3A_811 = arith.mulf %add3A_810, %sub3A_800 : vector<16xf32>
        %add3A_812 = arith.constant -88.0287704 : f32
        %add3A_813 = vector.broadcast %add3A_812 : f32 to vector<16xf32>
        %add3A_814 = arith.addf %mul3A_811, %add3A_813 : vector<16xf32>
        %convert_element_type3A_815 = arith.sitofp %shift_right_arithmetic3A_790 : vector<16xi32> to vector<16xf32>
        %mul3A_816 = arith.constant 0.693147182 : f32
        %mul3A_817 = vector.broadcast %mul3A_816 : f32 to vector<16xf32>
        %mul3A_818 = arith.mulf %convert_element_type3A_815, %mul3A_817 : vector<16xf32>
        %add3A_819 = arith.addf %mul3A_818, %add3A_814 : vector<16xf32>
        %mul3A_820 = arith.mulf %get3A_780, %add3A_819 : vector<16xf32>
        %add3A_821 = arith.addf %add3A_397, %mul3A_820 : vector<16xf32>
        %get3A_822 = arith.constant 13 : i32
        %get3A_823 = arith.index_cast %scan3A_112 : i32 to index
        %get3A_824 = arith.index_cast %get3A_822 : i32 to index
        %get3A_825 = arith.index_cast %mul3A_141 : i32 to index
        %get3A_826 = tpu.vector_load %arg7[%get3A_823, %get3A_824, %get3A_825] {strides = array<i32>} : memref<2x26x128xf32, #tpu.memory_space<vmem>>, vector<1x1x16xf32>,
        %get3A_827 = vector.shape_cast %get3A_826 : vector<1x1x16xf32> to vector<16xf32>
        %get3A_828 = arith.constant 13 : i32
        %get3A_829 = arith.index_cast %scan3A_112 : i32 to index
        %get3A_830 = arith.index_cast %get3A_828 : i32 to index
        %get3A_831 = arith.index_cast %mul3A_141 : i32 to index
        %get3A_832 = tpu.vector_load %arg8[%get3A_829, %get3A_830, %get3A_831] {strides = array<i32>} : memref<2x26x128xf32, #tpu.memory_space<vmem>>, vector<1x1x16xf32>,
        %get3A_833 = vector.shape_cast %get3A_832 : vector<1x1x16xf32> to vector<16xf32>
        %max3A_834 = arith.constant 0.00999999977 : f32
        %max3A_835 = vector.broadcast %max3A_834 : f32 to vector<16xf32>
        %max3A_836 = arith.maximumf %get3A_827, %max3A_835 : vector<16xf32>
        %min3A_837 = arith.constant 9.900000e-01 : f32
        %min3A_838 = vector.broadcast %min3A_837 : f32 to vector<16xf32>
        %min3A_839 = arith.minimumf %max3A_836, %min3A_838 : vector<16xf32>
        %bitcast_convert_type3A_840 = tpu.bitcast %min3A_839 : vector<16xf32> -> vector<16xi32>
        %shift_right_arithmetic3A_841 = arith.constant 23 : i32
        %shift_right_arithmetic3A_842 = vector.broadcast %shift_right_arithmetic3A_841 : i32 to vector<16xi32>
        %shift_right_arithmetic3A_843 = arith.shrsi %bitcast_convert_type3A_840, %shift_right_arithmetic3A_842 : vector<16xi32>
        %and3A_844 = arith.constant 8388607 : i32
        %and3A_845 = vector.broadcast %and3A_844 : i32 to vector<16xi32>
        %and3A_846 = arith.andi %bitcast_convert_type3A_840, %and3A_845 : vector<16xi32>
        %or3A_847 = arith.constant 1065353216 : i32
        %or3A_848 = vector.broadcast %or3A_847 : i32 to vector<16xi32>
        %or3A_849 = arith.ori %and3A_846, %or3A_848 : vector<16xi32>
        %bitcast_convert_type3A_850 = tpu.bitcast %or3A_849 : vector<16xi32> -> vector<16xf32>
        %sub3A_851 = arith.constant 1.000000e+00 : f32
        %sub3A_852 = vector.broadcast %sub3A_851 : f32 to vector<16xf32>
        %sub3A_853 = arith.subf %bitcast_convert_type3A_850, %sub3A_852 : vector<16xf32>
        %mul3A_854 = arith.constant 0.112550147 : f32
        %mul3A_855 = vector.broadcast %mul3A_854 : f32 to vector<16xf32>
        %mul3A_856 = arith.mulf %mul3A_855, %sub3A_853 : vector<16xf32>
        %add3A_857 = arith.constant -0.392166734 : f32
        %add3A_858 = vector.broadcast %add3A_857 : f32 to vector<16xf32>
        %add3A_859 = arith.addf %mul3A_856, %add3A_858 : vector<16xf32>
        %mul3A_860 = arith.mulf %add3A_859, %sub3A_853 : vector<16xf32>
        %add3A_861 = arith.constant 0.973550856 : f32
        %add3A_862 = vector.broadcast %add3A_861 : f32 to vector<16xf32>
        %add3A_863 = arith.addf %mul3A_860, %add3A_862 : vector<16xf32>
        %mul3A_864 = arith.mulf %add3A_863, %sub3A_853 : vector<16xf32>
        %add3A_865 = arith.constant -88.0287704 : f32
        %add3A_866 = vector.broadcast %add3A_865 : f32 to vector<16xf32>
        %add3A_867 = arith.addf %mul3A_864, %add3A_866 : vector<16xf32>
        %convert_element_type3A_868 = arith.sitofp %shift_right_arithmetic3A_843 : vector<16xi32> to vector<16xf32>
        %mul3A_869 = arith.constant 0.693147182 : f32
        %mul3A_870 = vector.broadcast %mul3A_869 : f32 to vector<16xf32>
        %mul3A_871 = arith.mulf %convert_element_type3A_868, %mul3A_870 : vector<16xf32>
        %add3A_872 = arith.addf %mul3A_871, %add3A_867 : vector<16xf32>
        %mul3A_873 = arith.mulf %get3A_833, %add3A_872 : vector<16xf32>
        %add3A_874 = arith.addf %add3A_450, %mul3A_873 : vector<16xf32>
        %get3A_875 = arith.constant 14 : i32
        %get3A_876 = arith.index_cast %scan3A_112 : i32 to index
        %get3A_877 = arith.index_cast %get3A_875 : i32 to index
        %get3A_878 = arith.index_cast %mul3A_141 : i32 to index
        %get3A_879 = tpu.vector_load %arg7[%get3A_876, %get3A_877, %get3A_878] {strides = array<i32>} : memref<2x26x128xf32, #tpu.memory_space<vmem>>, vector<1x1x16xf32>,
        %get3A_880 = vector.shape_cast %get3A_879 : vector<1x1x16xf32> to vector<16xf32>
        %get3A_881 = arith.constant 14 : i32
        %get3A_882 = arith.index_cast %scan3A_112 : i32 to index
        %get3A_883 = arith.index_cast %get3A_881 : i32 to index
        %get3A_884 = arith.index_cast %mul3A_141 : i32 to index
        %get3A_885 = tpu.vector_load %arg8[%get3A_882, %get3A_883, %get3A_884] {strides = array<i32>} : memref<2x26x128xf32, #tpu.memory_space<vmem>>, vector<1x1x16xf32>,
        %get3A_886 = vector.shape_cast %get3A_885 : vector<1x1x16xf32> to vector<16xf32>
        %max3A_887 = arith.constant 0.00999999977 : f32
        %max3A_888 = vector.broadcast %max3A_887 : f32 to vector<16xf32>
        %max3A_889 = arith.maximumf %get3A_880, %max3A_888 : vector<16xf32>
        %min3A_890 = arith.constant 9.900000e-01 : f32
        %min3A_891 = vector.broadcast %min3A_890 : f32 to vector<16xf32>
        %min3A_892 = arith.minimumf %max3A_889, %min3A_891 : vector<16xf32>
        %bitcast_convert_type3A_893 = tpu.bitcast %min3A_892 : vector<16xf32> -> vector<16xi32>
        %shift_right_arithmetic3A_894 = arith.constant 23 : i32
        %shift_right_arithmetic3A_895 = vector.broadcast %shift_right_arithmetic3A_894 : i32 to vector<16xi32>
        %shift_right_arithmetic3A_896 = arith.shrsi %bitcast_convert_type3A_893, %shift_right_arithmetic3A_895 : vector<16xi32>
        %and3A_897 = arith.constant 8388607 : i32
        %and3A_898 = vector.broadcast %and3A_897 : i32 to vector<16xi32>
        %and3A_899 = arith.andi %bitcast_convert_type3A_893, %and3A_898 : vector<16xi32>
        %or3A_900 = arith.constant 1065353216 : i32
        %or3A_901 = vector.broadcast %or3A_900 : i32 to vector<16xi32>
        %or3A_902 = arith.ori %and3A_899, %or3A_901 : vector<16xi32>
        %bitcast_convert_type3A_903 = tpu.bitcast %or3A_902 : vector<16xi32> -> vector<16xf32>
        %sub3A_904 = arith.constant 1.000000e+00 : f32
        %sub3A_905 = vector.broadcast %sub3A_904 : f32 to vector<16xf32>
        %sub3A_906 = arith.subf %bitcast_convert_type3A_903, %sub3A_905 : vector<16xf32>
        %mul3A_907 = arith.constant 0.112550147 : f32
        %mul3A_908 = vector.broadcast %mul3A_907 : f32 to vector<16xf32>
        %mul3A_909 = arith.mulf %mul3A_908, %sub3A_906 : vector<16xf32>
        %add3A_910 = arith.constant -0.392166734 : f32
        %add3A_911 = vector.broadcast %add3A_910 : f32 to vector<16xf32>
        %add3A_912 = arith.addf %mul3A_909, %add3A_911 : vector<16xf32>
        %mul3A_913 = arith.mulf %add3A_912, %sub3A_906 : vector<16xf32>
        %add3A_914 = arith.constant 0.973550856 : f32
        %add3A_915 = vector.broadcast %add3A_914 : f32 to vector<16xf32>
        %add3A_916 = arith.addf %mul3A_913, %add3A_915 : vector<16xf32>
        %mul3A_917 = arith.mulf %add3A_916, %sub3A_906 : vector<16xf32>
        %add3A_918 = arith.constant -88.0287704 : f32
        %add3A_919 = vector.broadcast %add3A_918 : f32 to vector<16xf32>
        %add3A_920 = arith.addf %mul3A_917, %add3A_919 : vector<16xf32>
        %convert_element_type3A_921 = arith.sitofp %shift_right_arithmetic3A_896 : vector<16xi32> to vector<16xf32>
        %mul3A_922 = arith.constant 0.693147182 : f32
        %mul3A_923 = vector.broadcast %mul3A_922 : f32 to vector<16xf32>
        %mul3A_924 = arith.mulf %convert_element_type3A_921, %mul3A_923 : vector<16xf32>
        %add3A_925 = arith.addf %mul3A_924, %add3A_920 : vector<16xf32>
        %mul3A_926 = arith.mulf %get3A_886, %add3A_925 : vector<16xf32>
        %add3A_927 = arith.addf %add3A_503, %mul3A_926 : vector<16xf32>
        %get3A_928 = arith.constant 15 : i32
        %get3A_929 = arith.index_cast %scan3A_112 : i32 to index
        %get3A_930 = arith.index_cast %get3A_928 : i32 to index
        %get3A_931 = arith.index_cast %mul3A_141 : i32 to index
        %get3A_932 = tpu.vector_load %arg7[%get3A_929, %get3A_930, %get3A_931] {strides = array<i32>} : memref<2x26x128xf32, #tpu.memory_space<vmem>>, vector<1x1x16xf32>,
        %get3A_933 = vector.shape_cast %get3A_932 : vector<1x1x16xf32> to vector<16xf32>
        %get3A_934 = arith.constant 15 : i32
        %get3A_935 = arith.index_cast %scan3A_112 : i32 to index
        %get3A_936 = arith.index_cast %get3A_934 : i32 to index
        %get3A_937 = arith.index_cast %mul3A_141 : i32 to index
        %get3A_938 = tpu.vector_load %arg8[%get3A_935, %get3A_936, %get3A_937] {strides = array<i32>} : memref<2x26x128xf32, #tpu.memory_space<vmem>>, vector<1x1x16xf32>,
        %get3A_939 = vector.shape_cast %get3A_938 : vector<1x1x16xf32> to vector<16xf32>
        %max3A_940 = arith.constant 0.00999999977 : f32
        %max3A_941 = vector.broadcast %max3A_940 : f32 to vector<16xf32>
        %max3A_942 = arith.maximumf %get3A_933, %max3A_941 : vector<16xf32>
        %min3A_943 = arith.constant 9.900000e-01 : f32
        %min3A_944 = vector.broadcast %min3A_943 : f32 to vector<16xf32>
        %min3A_945 = arith.minimumf %max3A_942, %min3A_944 : vector<16xf32>
        %bitcast_convert_type3A_946 = tpu.bitcast %min3A_945 : vector<16xf32> -> vector<16xi32>
        %shift_right_arithmetic3A_947 = arith.constant 23 : i32
        %shift_right_arithmetic3A_948 = vector.broadcast %shift_right_arithmetic3A_947 : i32 to vector<16xi32>
        %shift_right_arithmetic3A_949 = arith.shrsi %bitcast_convert_type3A_946, %shift_right_arithmetic3A_948 : vector<16xi32>
        %and3A_950 = arith.constant 8388607 : i32
        %and3A_951 = vector.broadcast %and3A_950 : i32 to vector<16xi32>
        %and3A_952 = arith.andi %bitcast_convert_type3A_946, %and3A_951 : vector<16xi32>
        %or3A_953 = arith.constant 1065353216 : i32
        %or3A_954 = vector.broadcast %or3A_953 : i32 to vector<16xi32>
        %or3A_955 = arith.ori %and3A_952, %or3A_954 : vector<16xi32>
        %bitcast_convert_type3A_956 = tpu.bitcast %or3A_955 : vector<16xi32> -> vector<16xf32>
        %sub3A_957 = arith.constant 1.000000e+00 : f32
        %sub3A_958 = vector.broadcast %sub3A_957 : f32 to vector<16xf32>
        %sub3A_959 = arith.subf %bitcast_convert_type3A_956, %sub3A_958 : vector<16xf32>
        %mul3A_960 = arith.constant 0.112550147 : f32
        %mul3A_961 = vector.broadcast %mul3A_960 : f32 to vector<16xf32>
        %mul3A_962 = arith.mulf %mul3A_961, %sub3A_959 : vector<16xf32>
        %add3A_963 = arith.constant -0.392166734 : f32
        %add3A_964 = vector.broadcast %add3A_963 : f32 to vector<16xf32>
        %add3A_965 = arith.addf %mul3A_962, %add3A_964 : vector<16xf32>
        %mul3A_966 = arith.mulf %add3A_965, %sub3A_959 : vector<16xf32>
        %add3A_967 = arith.constant 0.973550856 : f32
        %add3A_968 = vector.broadcast %add3A_967 : f32 to vector<16xf32>
        %add3A_969 = arith.addf %mul3A_966, %add3A_968 : vector<16xf32>
        %mul3A_970 = arith.mulf %add3A_969, %sub3A_959 : vector<16xf32>
        %add3A_971 = arith.constant -88.0287704 : f32
        %add3A_972 = vector.broadcast %add3A_971 : f32 to vector<16xf32>
        %add3A_973 = arith.addf %mul3A_970, %add3A_972 : vector<16xf32>
        %convert_element_type3A_974 = arith.sitofp %shift_right_arithmetic3A_949 : vector<16xi32> to vector<16xf32>
        %mul3A_975 = arith.constant 0.693147182 : f32
        %mul3A_976 = vector.broadcast %mul3A_975 : f32 to vector<16xf32>
        %mul3A_977 = arith.mulf %convert_element_type3A_974, %mul3A_976 : vector<16xf32>
        %add3A_978 = arith.addf %mul3A_977, %add3A_973 : vector<16xf32>
        %mul3A_979 = arith.mulf %get3A_939, %add3A_978 : vector<16xf32>
        %add3A_980 = arith.addf %add3A_556, %mul3A_979 : vector<16xf32>
        %get3A_981 = arith.constant 16 : i32
        %get3A_982 = arith.index_cast %scan3A_112 : i32 to index
        %get3A_983 = arith.index_cast %get3A_981 : i32 to index
        %get3A_984 = arith.index_cast %mul3A_141 : i32 to index
        %get3A_985 = tpu.vector_load %arg7[%get3A_982, %get3A_983, %get3A_984] {strides = array<i32>} : memref<2x26x128xf32, #tpu.memory_space<vmem>>, vector<1x1x16xf32>,
        %get3A_986 = vector.shape_cast %get3A_985 : vector<1x1x16xf32> to vector<16xf32>
        %get3A_987 = arith.constant 16 : i32
        %get3A_988 = arith.index_cast %scan3A_112 : i32 to index
        %get3A_989 = arith.index_cast %get3A_987 : i32 to index
        %get3A_990 = arith.index_cast %mul3A_141 : i32 to index
        %get3A_991 = tpu.vector_load %arg8[%get3A_988, %get3A_989, %get3A_990] {strides = array<i32>} : memref<2x26x128xf32, #tpu.memory_space<vmem>>, vector<1x1x16xf32>,
        %get3A_992 = vector.shape_cast %get3A_991 : vector<1x1x16xf32> to vector<16xf32>
        %max3A_993 = arith.constant 0.00999999977 : f32
        %max3A_994 = vector.broadcast %max3A_993 : f32 to vector<16xf32>
        %max3A_995 = arith.maximumf %get3A_986, %max3A_994 : vector<16xf32>
        %min3A_996 = arith.constant 9.900000e-01 : f32
        %min3A_997 = vector.broadcast %min3A_996 : f32 to vector<16xf32>
        %min3A_998 = arith.minimumf %max3A_995, %min3A_997 : vector<16xf32>
        %bitcast_convert_type3A_999 = tpu.bitcast %min3A_998 : vector<16xf32> -> vector<16xi32>
        %shift_right_arithmetic3A_1000 = arith.constant 23 : i32
        %shift_right_arithmetic3A_1001 = vector.broadcast %shift_right_arithmetic3A_1000 : i32 to vector<16xi32>
        %shift_right_arithmetic3A_1002 = arith.shrsi %bitcast_convert_type3A_999, %shift_right_arithmetic3A_1001 : vector<16xi32>
        %and3A_1003 = arith.constant 8388607 : i32
        %and3A_1004 = vector.broadcast %and3A_1003 : i32 to vector<16xi32>
        %and3A_1005 = arith.andi %bitcast_convert_type3A_999, %and3A_1004 : vector<16xi32>
        %or3A_1006 = arith.constant 1065353216 : i32
        %or3A_1007 = vector.broadcast %or3A_1006 : i32 to vector<16xi32>
        %or3A_1008 = arith.ori %and3A_1005, %or3A_1007 : vector<16xi32>
        %bitcast_convert_type3A_1009 = tpu.bitcast %or3A_1008 : vector<16xi32> -> vector<16xf32>
        %sub3A_1010 = arith.constant 1.000000e+00 : f32
        %sub3A_1011 = vector.broadcast %sub3A_1010 : f32 to vector<16xf32>
        %sub3A_1012 = arith.subf %bitcast_convert_type3A_1009, %sub3A_1011 : vector<16xf32>
        %mul3A_1013 = arith.constant 0.112550147 : f32
        %mul3A_1014 = vector.broadcast %mul3A_1013 : f32 to vector<16xf32>
        %mul3A_1015 = arith.mulf %mul3A_1014, %sub3A_1012 : vector<16xf32>
        %add3A_1016 = arith.constant -0.392166734 : f32
        %add3A_1017 = vector.broadcast %add3A_1016 : f32 to vector<16xf32>
        %add3A_1018 = arith.addf %mul3A_1015, %add3A_1017 : vector<16xf32>
        %mul3A_1019 = arith.mulf %add3A_1018, %sub3A_1012 : vector<16xf32>
        %add3A_1020 = arith.constant 0.973550856 : f32
        %add3A_1021 = vector.broadcast %add3A_1020 : f32 to vector<16xf32>
        %add3A_1022 = arith.addf %mul3A_1019, %add3A_1021 : vector<16xf32>
        %mul3A_1023 = arith.mulf %add3A_1022, %sub3A_1012 : vector<16xf32>
        %add3A_1024 = arith.constant -88.0287704 : f32
        %add3A_1025 = vector.broadcast %add3A_1024 : f32 to vector<16xf32>
        %add3A_1026 = arith.addf %mul3A_1023, %add3A_1025 : vector<16xf32>
        %convert_element_type3A_1027 = arith.sitofp %shift_right_arithmetic3A_1002 : vector<16xi32> to vector<16xf32>
        %mul3A_1028 = arith.constant 0.693147182 : f32
        %mul3A_1029 = vector.broadcast %mul3A_1028 : f32 to vector<16xf32>
        %mul3A_1030 = arith.mulf %convert_element_type3A_1027, %mul3A_1029 : vector<16xf32>
        %add3A_1031 = arith.addf %mul3A_1030, %add3A_1026 : vector<16xf32>
        %mul3A_1032 = arith.mulf %get3A_992, %add3A_1031 : vector<16xf32>
        %add3A_1033 = arith.addf %add3A_609, %mul3A_1032 : vector<16xf32>
        %get3A_1034 = arith.constant 17 : i32
        %get3A_1035 = arith.index_cast %scan3A_112 : i32 to index
        %get3A_1036 = arith.index_cast %get3A_1034 : i32 to index
        %get3A_1037 = arith.index_cast %mul3A_141 : i32 to index
        %get3A_1038 = tpu.vector_load %arg7[%get3A_1035, %get3A_1036, %get3A_1037] {strides = array<i32>} : memref<2x26x128xf32, #tpu.memory_space<vmem>>, vector<1x1x16xf32>,
        %get3A_1039 = vector.shape_cast %get3A_1038 : vector<1x1x16xf32> to vector<16xf32>
        %get3A_1040 = arith.constant 17 : i32
        %get3A_1041 = arith.index_cast %scan3A_112 : i32 to index
        %get3A_1042 = arith.index_cast %get3A_1040 : i32 to index
        %get3A_1043 = arith.index_cast %mul3A_141 : i32 to index
        %get3A_1044 = tpu.vector_load %arg8[%get3A_1041, %get3A_1042, %get3A_1043] {strides = array<i32>} : memref<2x26x128xf32, #tpu.memory_space<vmem>>, vector<1x1x16xf32>,
        %get3A_1045 = vector.shape_cast %get3A_1044 : vector<1x1x16xf32> to vector<16xf32>
        %max3A_1046 = arith.constant 0.00999999977 : f32
        %max3A_1047 = vector.broadcast %max3A_1046 : f32 to vector<16xf32>
        %max3A_1048 = arith.maximumf %get3A_1039, %max3A_1047 : vector<16xf32>
        %min3A_1049 = arith.constant 9.900000e-01 : f32
        %min3A_1050 = vector.broadcast %min3A_1049 : f32 to vector<16xf32>
        %min3A_1051 = arith.minimumf %max3A_1048, %min3A_1050 : vector<16xf32>
        %bitcast_convert_type3A_1052 = tpu.bitcast %min3A_1051 : vector<16xf32> -> vector<16xi32>
        %shift_right_arithmetic3A_1053 = arith.constant 23 : i32
        %shift_right_arithmetic3A_1054 = vector.broadcast %shift_right_arithmetic3A_1053 : i32 to vector<16xi32>
        %shift_right_arithmetic3A_1055 = arith.shrsi %bitcast_convert_type3A_1052, %shift_right_arithmetic3A_1054 : vector<16xi32>
        %and3A_1056 = arith.constant 8388607 : i32
        %and3A_1057 = vector.broadcast %and3A_1056 : i32 to vector<16xi32>
        %and3A_1058 = arith.andi %bitcast_convert_type3A_1052, %and3A_1057 : vector<16xi32>
        %or3A_1059 = arith.constant 1065353216 : i32
        %or3A_1060 = vector.broadcast %or3A_1059 : i32 to vector<16xi32>
        %or3A_1061 = arith.ori %and3A_1058, %or3A_1060 : vector<16xi32>
        %bitcast_convert_type3A_1062 = tpu.bitcast %or3A_1061 : vector<16xi32> -> vector<16xf32>
        %sub3A_1063 = arith.constant 1.000000e+00 : f32
        %sub3A_1064 = vector.broadcast %sub3A_1063 : f32 to vector<16xf32>
        %sub3A_1065 = arith.subf %bitcast_convert_type3A_1062, %sub3A_1064 : vector<16xf32>
        %mul3A_1066 = arith.constant 0.112550147 : f32
        %mul3A_1067 = vector.broadcast %mul3A_1066 : f32 to vector<16xf32>
        %mul3A_1068 = arith.mulf %mul3A_1067, %sub3A_1065 : vector<16xf32>
        %add3A_1069 = arith.constant -0.392166734 : f32
        %add3A_1070 = vector.broadcast %add3A_1069 : f32 to vector<16xf32>
        %add3A_1071 = arith.addf %mul3A_1068, %add3A_1070 : vector<16xf32>
        %mul3A_1072 = arith.mulf %add3A_1071, %sub3A_1065 : vector<16xf32>
        %add3A_1073 = arith.constant 0.973550856 : f32
        %add3A_1074 = vector.broadcast %add3A_1073 : f32 to vector<16xf32>
        %add3A_1075 = arith.addf %mul3A_1072, %add3A_1074 : vector<16xf32>
        %mul3A_1076 = arith.mulf %add3A_1075, %sub3A_1065 : vector<16xf32>
        %add3A_1077 = arith.constant -88.0287704 : f32
        %add3A_1078 = vector.broadcast %add3A_1077 : f32 to vector<16xf32>
        %add3A_1079 = arith.addf %mul3A_1076, %add3A_1078 : vector<16xf32>
        %convert_element_type3A_1080 = arith.sitofp %shift_right_arithmetic3A_1055 : vector<16xi32> to vector<16xf32>
        %mul3A_1081 = arith.constant 0.693147182 : f32
        %mul3A_1082 = vector.broadcast %mul3A_1081 : f32 to vector<16xf32>
        %mul3A_1083 = arith.mulf %convert_element_type3A_1080, %mul3A_1082 : vector<16xf32>
        %add3A_1084 = arith.addf %mul3A_1083, %add3A_1079 : vector<16xf32>
        %mul3A_1085 = arith.mulf %get3A_1045, %add3A_1084 : vector<16xf32>
        %add3A_1086 = arith.addf %add3A_662, %mul3A_1085 : vector<16xf32>
        %get3A_1087 = arith.constant 18 : i32
        %get3A_1088 = arith.index_cast %scan3A_112 : i32 to index
        %get3A_1089 = arith.index_cast %get3A_1087 : i32 to index
        %get3A_1090 = arith.index_cast %mul3A_141 : i32 to index
        %get3A_1091 = tpu.vector_load %arg7[%get3A_1088, %get3A_1089, %get3A_1090] {strides = array<i32>} : memref<2x26x128xf32, #tpu.memory_space<vmem>>, vector<1x1x16xf32>,
        %get3A_1092 = vector.shape_cast %get3A_1091 : vector<1x1x16xf32> to vector<16xf32>
        %get3A_1093 = arith.constant 18 : i32
        %get3A_1094 = arith.index_cast %scan3A_112 : i32 to index
        %get3A_1095 = arith.index_cast %get3A_1093 : i32 to index
        %get3A_1096 = arith.index_cast %mul3A_141 : i32 to index
        %get3A_1097 = tpu.vector_load %arg8[%get3A_1094, %get3A_1095, %get3A_1096] {strides = array<i32>} : memref<2x26x128xf32, #tpu.memory_space<vmem>>, vector<1x1x16xf32>,
        %get3A_1098 = vector.shape_cast %get3A_1097 : vector<1x1x16xf32> to vector<16xf32>
        %max3A_1099 = arith.constant 0.00999999977 : f32
        %max3A_1100 = vector.broadcast %max3A_1099 : f32 to vector<16xf32>
        %max3A_1101 = arith.maximumf %get3A_1092, %max3A_1100 : vector<16xf32>
        %min3A_1102 = arith.constant 9.900000e-01 : f32
        %min3A_1103 = vector.broadcast %min3A_1102 : f32 to vector<16xf32>
        %min3A_1104 = arith.minimumf %max3A_1101, %min3A_1103 : vector<16xf32>
        %bitcast_convert_type3A_1105 = tpu.bitcast %min3A_1104 : vector<16xf32> -> vector<16xi32>
        %shift_right_arithmetic3A_1106 = arith.constant 23 : i32
        %shift_right_arithmetic3A_1107 = vector.broadcast %shift_right_arithmetic3A_1106 : i32 to vector<16xi32>
        %shift_right_arithmetic3A_1108 = arith.shrsi %bitcast_convert_type3A_1105, %shift_right_arithmetic3A_1107 : vector<16xi32>
        %and3A_1109 = arith.constant 8388607 : i32
        %and3A_1110 = vector.broadcast %and3A_1109 : i32 to vector<16xi32>
        %and3A_1111 = arith.andi %bitcast_convert_type3A_1105, %and3A_1110 : vector<16xi32>
        %or3A_1112 = arith.constant 1065353216 : i32
        %or3A_1113 = vector.broadcast %or3A_1112 : i32 to vector<16xi32>
        %or3A_1114 = arith.ori %and3A_1111, %or3A_1113 : vector<16xi32>
        %bitcast_convert_type3A_1115 = tpu.bitcast %or3A_1114 : vector<16xi32> -> vector<16xf32>
        %sub3A_1116 = arith.constant 1.000000e+00 : f32
        %sub3A_1117 = vector.broadcast %sub3A_1116 : f32 to vector<16xf32>
        %sub3A_1118 = arith.subf %bitcast_convert_type3A_1115, %sub3A_1117 : vector<16xf32>
        %mul3A_1119 = arith.constant 0.112550147 : f32
        %mul3A_1120 = vector.broadcast %mul3A_1119 : f32 to vector<16xf32>
        %mul3A_1121 = arith.mulf %mul3A_1120, %sub3A_1118 : vector<16xf32>
        %add3A_1122 = arith.constant -0.392166734 : f32
        %add3A_1123 = vector.broadcast %add3A_1122 : f32 to vector<16xf32>
        %add3A_1124 = arith.addf %mul3A_1121, %add3A_1123 : vector<16xf32>
        %mul3A_1125 = arith.mulf %add3A_1124, %sub3A_1118 : vector<16xf32>
        %add3A_1126 = arith.constant 0.973550856 : f32
        %add3A_1127 = vector.broadcast %add3A_1126 : f32 to vector<16xf32>
        %add3A_1128 = arith.addf %mul3A_1125, %add3A_1127 : vector<16xf32>
        %mul3A_1129 = arith.mulf %add3A_1128, %sub3A_1118 : vector<16xf32>
        %add3A_1130 = arith.constant -88.0287704 : f32
        %add3A_1131 = vector.broadcast %add3A_1130 : f32 to vector<16xf32>
        %add3A_1132 = arith.addf %mul3A_1129, %add3A_1131 : vector<16xf32>
        %convert_element_type3A_1133 = arith.sitofp %shift_right_arithmetic3A_1108 : vector<16xi32> to vector<16xf32>
        %mul3A_1134 = arith.constant 0.693147182 : f32
        %mul3A_1135 = vector.broadcast %mul3A_1134 : f32 to vector<16xf32>
        %mul3A_1136 = arith.mulf %convert_element_type3A_1133, %mul3A_1135 : vector<16xf32>
        %add3A_1137 = arith.addf %mul3A_1136, %add3A_1132 : vector<16xf32>
        %mul3A_1138 = arith.mulf %get3A_1098, %add3A_1137 : vector<16xf32>
        %add3A_1139 = arith.addf %add3A_715, %mul3A_1138 : vector<16xf32>
        %get3A_1140 = arith.constant 19 : i32
        %get3A_1141 = arith.index_cast %scan3A_112 : i32 to index
        %get3A_1142 = arith.index_cast %get3A_1140 : i32 to index
        %get3A_1143 = arith.index_cast %mul3A_141 : i32 to index
        %get3A_1144 = tpu.vector_load %arg7[%get3A_1141, %get3A_1142, %get3A_1143] {strides = array<i32>} : memref<2x26x128xf32, #tpu.memory_space<vmem>>, vector<1x1x16xf32>,
        %get3A_1145 = vector.shape_cast %get3A_1144 : vector<1x1x16xf32> to vector<16xf32>
        %get3A_1146 = arith.constant 19 : i32
        %get3A_1147 = arith.index_cast %scan3A_112 : i32 to index
        %get3A_1148 = arith.index_cast %get3A_1146 : i32 to index
        %get3A_1149 = arith.index_cast %mul3A_141 : i32 to index
        %get3A_1150 = tpu.vector_load %arg8[%get3A_1147, %get3A_1148, %get3A_1149] {strides = array<i32>} : memref<2x26x128xf32, #tpu.memory_space<vmem>>, vector<1x1x16xf32>,
        %get3A_1151 = vector.shape_cast %get3A_1150 : vector<1x1x16xf32> to vector<16xf32>
        %max3A_1152 = arith.constant 0.00999999977 : f32
        %max3A_1153 = vector.broadcast %max3A_1152 : f32 to vector<16xf32>
        %max3A_1154 = arith.maximumf %get3A_1145, %max3A_1153 : vector<16xf32>
        %min3A_1155 = arith.constant 9.900000e-01 : f32
        %min3A_1156 = vector.broadcast %min3A_1155 : f32 to vector<16xf32>
        %min3A_1157 = arith.minimumf %max3A_1154, %min3A_1156 : vector<16xf32>
        %bitcast_convert_type3A_1158 = tpu.bitcast %min3A_1157 : vector<16xf32> -> vector<16xi32>
        %shift_right_arithmetic3A_1159 = arith.constant 23 : i32
        %shift_right_arithmetic3A_1160 = vector.broadcast %shift_right_arithmetic3A_1159 : i32 to vector<16xi32>
        %shift_right_arithmetic3A_1161 = arith.shrsi %bitcast_convert_type3A_1158, %shift_right_arithmetic3A_1160 : vector<16xi32>
        %and3A_1162 = arith.constant 8388607 : i32
        %and3A_1163 = vector.broadcast %and3A_1162 : i32 to vector<16xi32>
        %and3A_1164 = arith.andi %bitcast_convert_type3A_1158, %and3A_1163 : vector<16xi32>
        %or3A_1165 = arith.constant 1065353216 : i32
        %or3A_1166 = vector.broadcast %or3A_1165 : i32 to vector<16xi32>
        %or3A_1167 = arith.ori %and3A_1164, %or3A_1166 : vector<16xi32>
        %bitcast_convert_type3A_1168 = tpu.bitcast %or3A_1167 : vector<16xi32> -> vector<16xf32>
        %sub3A_1169 = arith.constant 1.000000e+00 : f32
        %sub3A_1170 = vector.broadcast %sub3A_1169 : f32 to vector<16xf32>
        %sub3A_1171 = arith.subf %bitcast_convert_type3A_1168, %sub3A_1170 : vector<16xf32>
        %mul3A_1172 = arith.constant 0.112550147 : f32
        %mul3A_1173 = vector.broadcast %mul3A_1172 : f32 to vector<16xf32>
        %mul3A_1174 = arith.mulf %mul3A_1173, %sub3A_1171 : vector<16xf32>
        %add3A_1175 = arith.constant -0.392166734 : f32
        %add3A_1176 = vector.broadcast %add3A_1175 : f32 to vector<16xf32>
        %add3A_1177 = arith.addf %mul3A_1174, %add3A_1176 : vector<16xf32>
        %mul3A_1178 = arith.mulf %add3A_1177, %sub3A_1171 : vector<16xf32>
        %add3A_1179 = arith.constant 0.973550856 : f32
        %add3A_1180 = vector.broadcast %add3A_1179 : f32 to vector<16xf32>
        %add3A_1181 = arith.addf %mul3A_1178, %add3A_1180 : vector<16xf32>
        %mul3A_1182 = arith.mulf %add3A_1181, %sub3A_1171 : vector<16xf32>
        %add3A_1183 = arith.constant -88.0287704 : f32
        %add3A_1184 = vector.broadcast %add3A_1183 : f32 to vector<16xf32>
        %add3A_1185 = arith.addf %mul3A_1182, %add3A_1184 : vector<16xf32>
        %convert_element_type3A_1186 = arith.sitofp %shift_right_arithmetic3A_1161 : vector<16xi32> to vector<16xf32>
        %mul3A_1187 = arith.constant 0.693147182 : f32
        %mul3A_1188 = vector.broadcast %mul3A_1187 : f32 to vector<16xf32>
        %mul3A_1189 = arith.mulf %convert_element_type3A_1186, %mul3A_1188 : vector<16xf32>
        %add3A_1190 = arith.addf %mul3A_1189, %add3A_1185 : vector<16xf32>
        %mul3A_1191 = arith.mulf %get3A_1151, %add3A_1190 : vector<16xf32>
        %add3A_1192 = arith.addf %add3A_768, %mul3A_1191 : vector<16xf32>
        %get3A_1193 = arith.constant 20 : i32
        %get3A_1194 = arith.index_cast %scan3A_112 : i32 to index
        %get3A_1195 = arith.index_cast %get3A_1193 : i32 to index
        %get3A_1196 = arith.index_cast %mul3A_141 : i32 to index
        %get3A_1197 = tpu.vector_load %arg7[%get3A_1194, %get3A_1195, %get3A_1196] {strides = array<i32>} : memref<2x26x128xf32, #tpu.memory_space<vmem>>, vector<1x1x16xf32>,
        %get3A_1198 = vector.shape_cast %get3A_1197 : vector<1x1x16xf32> to vector<16xf32>
        %get3A_1199 = arith.constant 20 : i32
        %get3A_1200 = arith.index_cast %scan3A_112 : i32 to index
        %get3A_1201 = arith.index_cast %get3A_1199 : i32 to index
        %get3A_1202 = arith.index_cast %mul3A_141 : i32 to index
        %get3A_1203 = tpu.vector_load %arg8[%get3A_1200, %get3A_1201, %get3A_1202] {strides = array<i32>} : memref<2x26x128xf32, #tpu.memory_space<vmem>>, vector<1x1x16xf32>,
        %get3A_1204 = vector.shape_cast %get3A_1203 : vector<1x1x16xf32> to vector<16xf32>
        %max3A_1205 = arith.constant 0.00999999977 : f32
        %max3A_1206 = vector.broadcast %max3A_1205 : f32 to vector<16xf32>
        %max3A_1207 = arith.maximumf %get3A_1198, %max3A_1206 : vector<16xf32>
        %min3A_1208 = arith.constant 9.900000e-01 : f32
        %min3A_1209 = vector.broadcast %min3A_1208 : f32 to vector<16xf32>
        %min3A_1210 = arith.minimumf %max3A_1207, %min3A_1209 : vector<16xf32>
        %bitcast_convert_type3A_1211 = tpu.bitcast %min3A_1210 : vector<16xf32> -> vector<16xi32>
        %shift_right_arithmetic3A_1212 = arith.constant 23 : i32
        %shift_right_arithmetic3A_1213 = vector.broadcast %shift_right_arithmetic3A_1212 : i32 to vector<16xi32>
        %shift_right_arithmetic3A_1214 = arith.shrsi %bitcast_convert_type3A_1211, %shift_right_arithmetic3A_1213 : vector<16xi32>
        %and3A_1215 = arith.constant 8388607 : i32
        %and3A_1216 = vector.broadcast %and3A_1215 : i32 to vector<16xi32>
        %and3A_1217 = arith.andi %bitcast_convert_type3A_1211, %and3A_1216 : vector<16xi32>
        %or3A_1218 = arith.constant 1065353216 : i32
        %or3A_1219 = vector.broadcast %or3A_1218 : i32 to vector<16xi32>
        %or3A_1220 = arith.ori %and3A_1217, %or3A_1219 : vector<16xi32>
        %bitcast_convert_type3A_1221 = tpu.bitcast %or3A_1220 : vector<16xi32> -> vector<16xf32>
        %sub3A_1222 = arith.constant 1.000000e+00 : f32
        %sub3A_1223 = vector.broadcast %sub3A_1222 : f32 to vector<16xf32>
        %sub3A_1224 = arith.subf %bitcast_convert_type3A_1221, %sub3A_1223 : vector<16xf32>
        %mul3A_1225 = arith.constant 0.112550147 : f32
        %mul3A_1226 = vector.broadcast %mul3A_1225 : f32 to vector<16xf32>
        %mul3A_1227 = arith.mulf %mul3A_1226, %sub3A_1224 : vector<16xf32>
        %add3A_1228 = arith.constant -0.392166734 : f32
        %add3A_1229 = vector.broadcast %add3A_1228 : f32 to vector<16xf32>
        %add3A_1230 = arith.addf %mul3A_1227, %add3A_1229 : vector<16xf32>
        %mul3A_1231 = arith.mulf %add3A_1230, %sub3A_1224 : vector<16xf32>
        %add3A_1232 = arith.constant 0.973550856 : f32
        %add3A_1233 = vector.broadcast %add3A_1232 : f32 to vector<16xf32>
        %add3A_1234 = arith.addf %mul3A_1231, %add3A_1233 : vector<16xf32>
        %mul3A_1235 = arith.mulf %add3A_1234, %sub3A_1224 : vector<16xf32>
        %add3A_1236 = arith.constant -88.0287704 : f32
        %add3A_1237 = vector.broadcast %add3A_1236 : f32 to vector<16xf32>
        %add3A_1238 = arith.addf %mul3A_1235, %add3A_1237 : vector<16xf32>
        %convert_element_type3A_1239 = arith.sitofp %shift_right_arithmetic3A_1214 : vector<16xi32> to vector<16xf32>
        %mul3A_1240 = arith.constant 0.693147182 : f32
        %mul3A_1241 = vector.broadcast %mul3A_1240 : f32 to vector<16xf32>
        %mul3A_1242 = arith.mulf %convert_element_type3A_1239, %mul3A_1241 : vector<16xf32>
        %add3A_1243 = arith.addf %mul3A_1242, %add3A_1238 : vector<16xf32>
        %mul3A_1244 = arith.mulf %get3A_1204, %add3A_1243 : vector<16xf32>
        %add3A_1245 = arith.addf %add3A_821, %mul3A_1244 : vector<16xf32>
        %get3A_1246 = arith.constant 21 : i32
        %get3A_1247 = arith.index_cast %scan3A_112 : i32 to index
        %get3A_1248 = arith.index_cast %get3A_1246 : i32 to index
        %get3A_1249 = arith.index_cast %mul3A_141 : i32 to index
        %get3A_1250 = tpu.vector_load %arg7[%get3A_1247, %get3A_1248, %get3A_1249] {strides = array<i32>} : memref<2x26x128xf32, #tpu.memory_space<vmem>>, vector<1x1x16xf32>,
        %get3A_1251 = vector.shape_cast %get3A_1250 : vector<1x1x16xf32> to vector<16xf32>
        %get3A_1252 = arith.constant 21 : i32
        %get3A_1253 = arith.index_cast %scan3A_112 : i32 to index
        %get3A_1254 = arith.index_cast %get3A_1252 : i32 to index
        %get3A_1255 = arith.index_cast %mul3A_141 : i32 to index
        %get3A_1256 = tpu.vector_load %arg8[%get3A_1253, %get3A_1254, %get3A_1255] {strides = array<i32>} : memref<2x26x128xf32, #tpu.memory_space<vmem>>, vector<1x1x16xf32>,
        %get3A_1257 = vector.shape_cast %get3A_1256 : vector<1x1x16xf32> to vector<16xf32>
        %max3A_1258 = arith.constant 0.00999999977 : f32
        %max3A_1259 = vector.broadcast %max3A_1258 : f32 to vector<16xf32>
        %max3A_1260 = arith.maximumf %get3A_1251, %max3A_1259 : vector<16xf32>
        %min3A_1261 = arith.constant 9.900000e-01 : f32
        %min3A_1262 = vector.broadcast %min3A_1261 : f32 to vector<16xf32>
        %min3A_1263 = arith.minimumf %max3A_1260, %min3A_1262 : vector<16xf32>
        %bitcast_convert_type3A_1264 = tpu.bitcast %min3A_1263 : vector<16xf32> -> vector<16xi32>
        %shift_right_arithmetic3A_1265 = arith.constant 23 : i32
        %shift_right_arithmetic3A_1266 = vector.broadcast %shift_right_arithmetic3A_1265 : i32 to vector<16xi32>
        %shift_right_arithmetic3A_1267 = arith.shrsi %bitcast_convert_type3A_1264, %shift_right_arithmetic3A_1266 : vector<16xi32>
        %and3A_1268 = arith.constant 8388607 : i32
        %and3A_1269 = vector.broadcast %and3A_1268 : i32 to vector<16xi32>
        %and3A_1270 = arith.andi %bitcast_convert_type3A_1264, %and3A_1269 : vector<16xi32>
        %or3A_1271 = arith.constant 1065353216 : i32
        %or3A_1272 = vector.broadcast %or3A_1271 : i32 to vector<16xi32>
        %or3A_1273 = arith.ori %and3A_1270, %or3A_1272 : vector<16xi32>
        %bitcast_convert_type3A_1274 = tpu.bitcast %or3A_1273 : vector<16xi32> -> vector<16xf32>
        %sub3A_1275 = arith.constant 1.000000e+00 : f32
        %sub3A_1276 = vector.broadcast %sub3A_1275 : f32 to vector<16xf32>
        %sub3A_1277 = arith.subf %bitcast_convert_type3A_1274, %sub3A_1276 : vector<16xf32>
        %mul3A_1278 = arith.constant 0.112550147 : f32
        %mul3A_1279 = vector.broadcast %mul3A_1278 : f32 to vector<16xf32>
        %mul3A_1280 = arith.mulf %mul3A_1279, %sub3A_1277 : vector<16xf32>
        %add3A_1281 = arith.constant -0.392166734 : f32
        %add3A_1282 = vector.broadcast %add3A_1281 : f32 to vector<16xf32>
        %add3A_1283 = arith.addf %mul3A_1280, %add3A_1282 : vector<16xf32>
        %mul3A_1284 = arith.mulf %add3A_1283, %sub3A_1277 : vector<16xf32>
        %add3A_1285 = arith.constant 0.973550856 : f32
        %add3A_1286 = vector.broadcast %add3A_1285 : f32 to vector<16xf32>
        %add3A_1287 = arith.addf %mul3A_1284, %add3A_1286 : vector<16xf32>
        %mul3A_1288 = arith.mulf %add3A_1287, %sub3A_1277 : vector<16xf32>
        %add3A_1289 = arith.constant -88.0287704 : f32
        %add3A_1290 = vector.broadcast %add3A_1289 : f32 to vector<16xf32>
        %add3A_1291 = arith.addf %mul3A_1288, %add3A_1290 : vector<16xf32>
        %convert_element_type3A_1292 = arith.sitofp %shift_right_arithmetic3A_1267 : vector<16xi32> to vector<16xf32>
        %mul3A_1293 = arith.constant 0.693147182 : f32
        %mul3A_1294 = vector.broadcast %mul3A_1293 : f32 to vector<16xf32>
        %mul3A_1295 = arith.mulf %convert_element_type3A_1292, %mul3A_1294 : vector<16xf32>
        %add3A_1296 = arith.addf %mul3A_1295, %add3A_1291 : vector<16xf32>
        %mul3A_1297 = arith.mulf %get3A_1257, %add3A_1296 : vector<16xf32>
        %add3A_1298 = arith.addf %add3A_874, %mul3A_1297 : vector<16xf32>
        %get3A_1299 = arith.constant 22 : i32
        %get3A_1300 = arith.index_cast %scan3A_112 : i32 to index
        %get3A_1301 = arith.index_cast %get3A_1299 : i32 to index
        %get3A_1302 = arith.index_cast %mul3A_141 : i32 to index
        %get3A_1303 = tpu.vector_load %arg7[%get3A_1300, %get3A_1301, %get3A_1302] {strides = array<i32>} : memref<2x26x128xf32, #tpu.memory_space<vmem>>, vector<1x1x16xf32>,
        %get3A_1304 = vector.shape_cast %get3A_1303 : vector<1x1x16xf32> to vector<16xf32>
        %get3A_1305 = arith.constant 22 : i32
        %get3A_1306 = arith.index_cast %scan3A_112 : i32 to index
        %get3A_1307 = arith.index_cast %get3A_1305 : i32 to index
        %get3A_1308 = arith.index_cast %mul3A_141 : i32 to index
        %get3A_1309 = tpu.vector_load %arg8[%get3A_1306, %get3A_1307, %get3A_1308] {strides = array<i32>} : memref<2x26x128xf32, #tpu.memory_space<vmem>>, vector<1x1x16xf32>,
        %get3A_1310 = vector.shape_cast %get3A_1309 : vector<1x1x16xf32> to vector<16xf32>
        %max3A_1311 = arith.constant 0.00999999977 : f32
        %max3A_1312 = vector.broadcast %max3A_1311 : f32 to vector<16xf32>
        %max3A_1313 = arith.maximumf %get3A_1304, %max3A_1312 : vector<16xf32>
        %min3A_1314 = arith.constant 9.900000e-01 : f32
        %min3A_1315 = vector.broadcast %min3A_1314 : f32 to vector<16xf32>
        %min3A_1316 = arith.minimumf %max3A_1313, %min3A_1315 : vector<16xf32>
        %bitcast_convert_type3A_1317 = tpu.bitcast %min3A_1316 : vector<16xf32> -> vector<16xi32>
        %shift_right_arithmetic3A_1318 = arith.constant 23 : i32
        %shift_right_arithmetic3A_1319 = vector.broadcast %shift_right_arithmetic3A_1318 : i32 to vector<16xi32>
        %shift_right_arithmetic3A_1320 = arith.shrsi %bitcast_convert_type3A_1317, %shift_right_arithmetic3A_1319 : vector<16xi32>
        %and3A_1321 = arith.constant 8388607 : i32
        %and3A_1322 = vector.broadcast %and3A_1321 : i32 to vector<16xi32>
        %and3A_1323 = arith.andi %bitcast_convert_type3A_1317, %and3A_1322 : vector<16xi32>
        %or3A_1324 = arith.constant 1065353216 : i32
        %or3A_1325 = vector.broadcast %or3A_1324 : i32 to vector<16xi32>
        %or3A_1326 = arith.ori %and3A_1323, %or3A_1325 : vector<16xi32>
        %bitcast_convert_type3A_1327 = tpu.bitcast %or3A_1326 : vector<16xi32> -> vector<16xf32>
        %sub3A_1328 = arith.constant 1.000000e+00 : f32
        %sub3A_1329 = vector.broadcast %sub3A_1328 : f32 to vector<16xf32>
        %sub3A_1330 = arith.subf %bitcast_convert_type3A_1327, %sub3A_1329 : vector<16xf32>
        %mul3A_1331 = arith.constant 0.112550147 : f32
        %mul3A_1332 = vector.broadcast %mul3A_1331 : f32 to vector<16xf32>
        %mul3A_1333 = arith.mulf %mul3A_1332, %sub3A_1330 : vector<16xf32>
        %add3A_1334 = arith.constant -0.392166734 : f32
        %add3A_1335 = vector.broadcast %add3A_1334 : f32 to vector<16xf32>
        %add3A_1336 = arith.addf %mul3A_1333, %add3A_1335 : vector<16xf32>
        %mul3A_1337 = arith.mulf %add3A_1336, %sub3A_1330 : vector<16xf32>
        %add3A_1338 = arith.constant 0.973550856 : f32
        %add3A_1339 = vector.broadcast %add3A_1338 : f32 to vector<16xf32>
        %add3A_1340 = arith.addf %mul3A_1337, %add3A_1339 : vector<16xf32>
        %mul3A_1341 = arith.mulf %add3A_1340, %sub3A_1330 : vector<16xf32>
        %add3A_1342 = arith.constant -88.0287704 : f32
        %add3A_1343 = vector.broadcast %add3A_1342 : f32 to vector<16xf32>
        %add3A_1344 = arith.addf %mul3A_1341, %add3A_1343 : vector<16xf32>
        %convert_element_type3A_1345 = arith.sitofp %shift_right_arithmetic3A_1320 : vector<16xi32> to vector<16xf32>
        %mul3A_1346 = arith.constant 0.693147182 : f32
        %mul3A_1347 = vector.broadcast %mul3A_1346 : f32 to vector<16xf32>
        %mul3A_1348 = arith.mulf %convert_element_type3A_1345, %mul3A_1347 : vector<16xf32>
        %add3A_1349 = arith.addf %mul3A_1348, %add3A_1344 : vector<16xf32>
        %mul3A_1350 = arith.mulf %get3A_1310, %add3A_1349 : vector<16xf32>
        %add3A_1351 = arith.addf %add3A_927, %mul3A_1350 : vector<16xf32>
        %get3A_1352 = arith.constant 23 : i32
        %get3A_1353 = arith.index_cast %scan3A_112 : i32 to index
        %get3A_1354 = arith.index_cast %get3A_1352 : i32 to index
        %get3A_1355 = arith.index_cast %mul3A_141 : i32 to index
        %get3A_1356 = tpu.vector_load %arg7[%get3A_1353, %get3A_1354, %get3A_1355] {strides = array<i32>} : memref<2x26x128xf32, #tpu.memory_space<vmem>>, vector<1x1x16xf32>,
        %get3A_1357 = vector.shape_cast %get3A_1356 : vector<1x1x16xf32> to vector<16xf32>
        %get3A_1358 = arith.constant 23 : i32
        %get3A_1359 = arith.index_cast %scan3A_112 : i32 to index
        %get3A_1360 = arith.index_cast %get3A_1358 : i32 to index
        %get3A_1361 = arith.index_cast %mul3A_141 : i32 to index
        %get3A_1362 = tpu.vector_load %arg8[%get3A_1359, %get3A_1360, %get3A_1361] {strides = array<i32>} : memref<2x26x128xf32, #tpu.memory_space<vmem>>, vector<1x1x16xf32>,
        %get3A_1363 = vector.shape_cast %get3A_1362 : vector<1x1x16xf32> to vector<16xf32>
        %max3A_1364 = arith.constant 0.00999999977 : f32
        %max3A_1365 = vector.broadcast %max3A_1364 : f32 to vector<16xf32>
        %max3A_1366 = arith.maximumf %get3A_1357, %max3A_1365 : vector<16xf32>
        %min3A_1367 = arith.constant 9.900000e-01 : f32
        %min3A_1368 = vector.broadcast %min3A_1367 : f32 to vector<16xf32>
        %min3A_1369 = arith.minimumf %max3A_1366, %min3A_1368 : vector<16xf32>
        %bitcast_convert_type3A_1370 = tpu.bitcast %min3A_1369 : vector<16xf32> -> vector<16xi32>
        %shift_right_arithmetic3A_1371 = arith.constant 23 : i32
        %shift_right_arithmetic3A_1372 = vector.broadcast %shift_right_arithmetic3A_1371 : i32 to vector<16xi32>
        %shift_right_arithmetic3A_1373 = arith.shrsi %bitcast_convert_type3A_1370, %shift_right_arithmetic3A_1372 : vector<16xi32>
        %and3A_1374 = arith.constant 8388607 : i32
        %and3A_1375 = vector.broadcast %and3A_1374 : i32 to vector<16xi32>
        %and3A_1376 = arith.andi %bitcast_convert_type3A_1370, %and3A_1375 : vector<16xi32>
        %or3A_1377 = arith.constant 1065353216 : i32
        %or3A_1378 = vector.broadcast %or3A_1377 : i32 to vector<16xi32>
        %or3A_1379 = arith.ori %and3A_1376, %or3A_1378 : vector<16xi32>
        %bitcast_convert_type3A_1380 = tpu.bitcast %or3A_1379 : vector<16xi32> -> vector<16xf32>
        %sub3A_1381 = arith.constant 1.000000e+00 : f32
        %sub3A_1382 = vector.broadcast %sub3A_1381 : f32 to vector<16xf32>
        %sub3A_1383 = arith.subf %bitcast_convert_type3A_1380, %sub3A_1382 : vector<16xf32>
        %mul3A_1384 = arith.constant 0.112550147 : f32
        %mul3A_1385 = vector.broadcast %mul3A_1384 : f32 to vector<16xf32>
        %mul3A_1386 = arith.mulf %mul3A_1385, %sub3A_1383 : vector<16xf32>
        %add3A_1387 = arith.constant -0.392166734 : f32
        %add3A_1388 = vector.broadcast %add3A_1387 : f32 to vector<16xf32>
        %add3A_1389 = arith.addf %mul3A_1386, %add3A_1388 : vector<16xf32>
        %mul3A_1390 = arith.mulf %add3A_1389, %sub3A_1383 : vector<16xf32>
        %add3A_1391 = arith.constant 0.973550856 : f32
        %add3A_1392 = vector.broadcast %add3A_1391 : f32 to vector<16xf32>
        %add3A_1393 = arith.addf %mul3A_1390, %add3A_1392 : vector<16xf32>
        %mul3A_1394 = arith.mulf %add3A_1393, %sub3A_1383 : vector<16xf32>
        %add3A_1395 = arith.constant -88.0287704 : f32
        %add3A_1396 = vector.broadcast %add3A_1395 : f32 to vector<16xf32>
        %add3A_1397 = arith.addf %mul3A_1394, %add3A_1396 : vector<16xf32>
        %convert_element_type3A_1398 = arith.sitofp %shift_right_arithmetic3A_1373 : vector<16xi32> to vector<16xf32>
        %mul3A_1399 = arith.constant 0.693147182 : f32
        %mul3A_1400 = vector.broadcast %mul3A_1399 : f32 to vector<16xf32>
        %mul3A_1401 = arith.mulf %convert_element_type3A_1398, %mul3A_1400 : vector<16xf32>
        %add3A_1402 = arith.addf %mul3A_1401, %add3A_1397 : vector<16xf32>
        %mul3A_1403 = arith.mulf %get3A_1363, %add3A_1402 : vector<16xf32>
        %add3A_1404 = arith.addf %add3A_980, %mul3A_1403 : vector<16xf32>
        %get3A_1405 = arith.constant 24 : i32
        %get3A_1406 = arith.index_cast %scan3A_112 : i32 to index
        %get3A_1407 = arith.index_cast %get3A_1405 : i32 to index
        %get3A_1408 = arith.index_cast %mul3A_141 : i32 to index
        %get3A_1409 = tpu.vector_load %arg7[%get3A_1406, %get3A_1407, %get3A_1408] {strides = array<i32>} : memref<2x26x128xf32, #tpu.memory_space<vmem>>, vector<1x1x16xf32>,
        %get3A_1410 = vector.shape_cast %get3A_1409 : vector<1x1x16xf32> to vector<16xf32>
        %get3A_1411 = arith.constant 24 : i32
        %get3A_1412 = arith.index_cast %scan3A_112 : i32 to index
        %get3A_1413 = arith.index_cast %get3A_1411 : i32 to index
        %get3A_1414 = arith.index_cast %mul3A_141 : i32 to index
        %get3A_1415 = tpu.vector_load %arg8[%get3A_1412, %get3A_1413, %get3A_1414] {strides = array<i32>} : memref<2x26x128xf32, #tpu.memory_space<vmem>>, vector<1x1x16xf32>,
        %get3A_1416 = vector.shape_cast %get3A_1415 : vector<1x1x16xf32> to vector<16xf32>
        %max3A_1417 = arith.constant 0.00999999977 : f32
        %max3A_1418 = vector.broadcast %max3A_1417 : f32 to vector<16xf32>
        %max3A_1419 = arith.maximumf %get3A_1410, %max3A_1418 : vector<16xf32>
        %min3A_1420 = arith.constant 9.900000e-01 : f32
        %min3A_1421 = vector.broadcast %min3A_1420 : f32 to vector<16xf32>
        %min3A_1422 = arith.minimumf %max3A_1419, %min3A_1421 : vector<16xf32>
        %bitcast_convert_type3A_1423 = tpu.bitcast %min3A_1422 : vector<16xf32> -> vector<16xi32>
        %shift_right_arithmetic3A_1424 = arith.constant 23 : i32
        %shift_right_arithmetic3A_1425 = vector.broadcast %shift_right_arithmetic3A_1424 : i32 to vector<16xi32>
        %shift_right_arithmetic3A_1426 = arith.shrsi %bitcast_convert_type3A_1423, %shift_right_arithmetic3A_1425 : vector<16xi32>
        %and3A_1427 = arith.constant 8388607 : i32
        %and3A_1428 = vector.broadcast %and3A_1427 : i32 to vector<16xi32>
        %and3A_1429 = arith.andi %bitcast_convert_type3A_1423, %and3A_1428 : vector<16xi32>
        %or3A_1430 = arith.constant 1065353216 : i32
        %or3A_1431 = vector.broadcast %or3A_1430 : i32 to vector<16xi32>
        %or3A_1432 = arith.ori %and3A_1429, %or3A_1431 : vector<16xi32>
        %bitcast_convert_type3A_1433 = tpu.bitcast %or3A_1432 : vector<16xi32> -> vector<16xf32>
        %sub3A_1434 = arith.constant 1.000000e+00 : f32
        %sub3A_1435 = vector.broadcast %sub3A_1434 : f32 to vector<16xf32>
        %sub3A_1436 = arith.subf %bitcast_convert_type3A_1433, %sub3A_1435 : vector<16xf32>
        %mul3A_1437 = arith.constant 0.112550147 : f32
        %mul3A_1438 = vector.broadcast %mul3A_1437 : f32 to vector<16xf32>
        %mul3A_1439 = arith.mulf %mul3A_1438, %sub3A_1436 : vector<16xf32>
        %add3A_1440 = arith.constant -0.392166734 : f32
        %add3A_1441 = vector.broadcast %add3A_1440 : f32 to vector<16xf32>
        %add3A_1442 = arith.addf %mul3A_1439, %add3A_1441 : vector<16xf32>
        %mul3A_1443 = arith.mulf %add3A_1442, %sub3A_1436 : vector<16xf32>
        %add3A_1444 = arith.constant 0.973550856 : f32
        %add3A_1445 = vector.broadcast %add3A_1444 : f32 to vector<16xf32>
        %add3A_1446 = arith.addf %mul3A_1443, %add3A_1445 : vector<16xf32>
        %mul3A_1447 = arith.mulf %add3A_1446, %sub3A_1436 : vector<16xf32>
        %add3A_1448 = arith.constant -88.0287704 : f32
        %add3A_1449 = vector.broadcast %add3A_1448 : f32 to vector<16xf32>
        %add3A_1450 = arith.addf %mul3A_1447, %add3A_1449 : vector<16xf32>
        %convert_element_type3A_1451 = arith.sitofp %shift_right_arithmetic3A_1426 : vector<16xi32> to vector<16xf32>
        %mul3A_1452 = arith.constant 0.693147182 : f32
        %mul3A_1453 = vector.broadcast %mul3A_1452 : f32 to vector<16xf32>
        %mul3A_1454 = arith.mulf %convert_element_type3A_1451, %mul3A_1453 : vector<16xf32>
        %add3A_1455 = arith.addf %mul3A_1454, %add3A_1450 : vector<16xf32>
        %mul3A_1456 = arith.mulf %get3A_1416, %add3A_1455 : vector<16xf32>
        %add3A_1457 = arith.addf %add3A_1033, %mul3A_1456 : vector<16xf32>
        %get3A_1458 = arith.constant 25 : i32
        %get3A_1459 = arith.index_cast %scan3A_112 : i32 to index
        %get3A_1460 = arith.index_cast %get3A_1458 : i32 to index
        %get3A_1461 = arith.index_cast %mul3A_141 : i32 to index
        %get3A_1462 = tpu.vector_load %arg7[%get3A_1459, %get3A_1460, %get3A_1461] {strides = array<i32>} : memref<2x26x128xf32, #tpu.memory_space<vmem>>, vector<1x1x16xf32>,
        %get3A_1463 = vector.shape_cast %get3A_1462 : vector<1x1x16xf32> to vector<16xf32>
        %get3A_1464 = arith.constant 25 : i32
        %get3A_1465 = arith.index_cast %scan3A_112 : i32 to index
        %get3A_1466 = arith.index_cast %get3A_1464 : i32 to index
        %get3A_1467 = arith.index_cast %mul3A_141 : i32 to index
        %get3A_1468 = tpu.vector_load %arg8[%get3A_1465, %get3A_1466, %get3A_1467] {strides = array<i32>} : memref<2x26x128xf32, #tpu.memory_space<vmem>>, vector<1x1x16xf32>,
        %get3A_1469 = vector.shape_cast %get3A_1468 : vector<1x1x16xf32> to vector<16xf32>
        %max3A_1470 = arith.constant 0.00999999977 : f32
        %max3A_1471 = vector.broadcast %max3A_1470 : f32 to vector<16xf32>
        %max3A_1472 = arith.maximumf %get3A_1463, %max3A_1471 : vector<16xf32>
        %min3A_1473 = arith.constant 9.900000e-01 : f32
        %min3A_1474 = vector.broadcast %min3A_1473 : f32 to vector<16xf32>
        %min3A_1475 = arith.minimumf %max3A_1472, %min3A_1474 : vector<16xf32>
        %bitcast_convert_type3A_1476 = tpu.bitcast %min3A_1475 : vector<16xf32> -> vector<16xi32>
        %shift_right_arithmetic3A_1477 = arith.constant 23 : i32
        %shift_right_arithmetic3A_1478 = vector.broadcast %shift_right_arithmetic3A_1477 : i32 to vector<16xi32>
        %shift_right_arithmetic3A_1479 = arith.shrsi %bitcast_convert_type3A_1476, %shift_right_arithmetic3A_1478 : vector<16xi32>
        %and3A_1480 = arith.constant 8388607 : i32
        %and3A_1481 = vector.broadcast %and3A_1480 : i32 to vector<16xi32>
        %and3A_1482 = arith.andi %bitcast_convert_type3A_1476, %and3A_1481 : vector<16xi32>
        %or3A_1483 = arith.constant 1065353216 : i32
        %or3A_1484 = vector.broadcast %or3A_1483 : i32 to vector<16xi32>
        %or3A_1485 = arith.ori %and3A_1482, %or3A_1484 : vector<16xi32>
        %bitcast_convert_type3A_1486 = tpu.bitcast %or3A_1485 : vector<16xi32> -> vector<16xf32>
        %sub3A_1487 = arith.constant 1.000000e+00 : f32
        %sub3A_1488 = vector.broadcast %sub3A_1487 : f32 to vector<16xf32>
        %sub3A_1489 = arith.subf %bitcast_convert_type3A_1486, %sub3A_1488 : vector<16xf32>
        %mul3A_1490 = arith.constant 0.112550147 : f32
        %mul3A_1491 = vector.broadcast %mul3A_1490 : f32 to vector<16xf32>
        %mul3A_1492 = arith.mulf %mul3A_1491, %sub3A_1489 : vector<16xf32>
        %add3A_1493 = arith.constant -0.392166734 : f32
        %add3A_1494 = vector.broadcast %add3A_1493 : f32 to vector<16xf32>
        %add3A_1495 = arith.addf %mul3A_1492, %add3A_1494 : vector<16xf32>
        %mul3A_1496 = arith.mulf %add3A_1495, %sub3A_1489 : vector<16xf32>
        %add3A_1497 = arith.constant 0.973550856 : f32
        %add3A_1498 = vector.broadcast %add3A_1497 : f32 to vector<16xf32>
        %add3A_1499 = arith.addf %mul3A_1496, %add3A_1498 : vector<16xf32>
        %mul3A_1500 = arith.mulf %add3A_1499, %sub3A_1489 : vector<16xf32>
        %add3A_1501 = arith.constant -88.0287704 : f32
        %add3A_1502 = vector.broadcast %add3A_1501 : f32 to vector<16xf32>
        %add3A_1503 = arith.addf %mul3A_1500, %add3A_1502 : vector<16xf32>
        %convert_element_type3A_1504 = arith.sitofp %shift_right_arithmetic3A_1479 : vector<16xi32> to vector<16xf32>
        %mul3A_1505 = arith.constant 0.693147182 : f32
        %mul3A_1506 = vector.broadcast %mul3A_1505 : f32 to vector<16xf32>
        %mul3A_1507 = arith.mulf %convert_element_type3A_1504, %mul3A_1506 : vector<16xf32>
        %add3A_1508 = arith.addf %mul3A_1507, %add3A_1503 : vector<16xf32>
        %mul3A_1509 = arith.mulf %get3A_1469, %add3A_1508 : vector<16xf32>
        %add3A_1510 = arith.addf %add3A_1086, %mul3A_1509 : vector<16xf32>
        scf.yield %add3A_1457, %add3A_1510, %add3A_1139, %add3A_1192, %add3A_1245, %add3A_1298, %add3A_1351, %add3A_1404 : vector<16xf32>, vector<16xf32>, vector<16xf32>, vector<16xf32>, vector<16xf32>, vector<16xf32>, vector<16xf32>, vector<16xf32>
      }
      %scan3A_119 = arith.constant 8 : i32
      %add3A_120 = arith.addf %scan3A_118#0, %scan3A_118#1 : vector<16xf32>
      %add3A_121 = arith.addf %scan3A_118#2, %scan3A_118#3 : vector<16xf32>
      %add3A_122 = arith.addf %add3A_120, %add3A_121 : vector<16xf32>
      %add3A_123 = arith.addf %scan3A_118#4, %scan3A_118#5 : vector<16xf32>
      %add3A_124 = arith.addf %scan3A_118#6, %scan3A_118#7 : vector<16xf32>
      %add3A_125 = arith.addf %add3A_123, %add3A_124 : vector<16xf32>
      %add3A_126 = arith.addf %add3A_122, %add3A_125 : vector<16xf32>
      %swap3A = arith.constant 0 : index
      %swap3A_127 = tpu.vector_load %arg9[%swap3A] {strides = array<i32>} : memref<16xf32, #tpu.memory_space<vmem>>, vector<16xf32>,
      %swap3A_128 = vector.shape_cast %swap3A_127 : vector<16xf32> to vector<16xf32>
      %swap3A_129 = vector.shape_cast %add3A_126 : vector<16xf32> to vector<16xf32>
      tpu.vector_store %arg9[%swap3A], %swap3A_129 {strides = array<i32>} : memref<16xf32, #tpu.memory_space<vmem>>, vector<16xf32>,
      "tpu.region"() ({
        %run_scoped3A = tpu.sem_alloc : memref<!tpu.dma_semaphore, #tpu.memory_space<semaphore_mem>>
        %dma_start3A_131 = arith.constant 0 : i32
        %dma_start3A_132 = tpu.memref_slice %arg6[%scan3A_112, %add3A, %dma_start3A_131] : memref<2x32x16xf32, #tpu.memory_space<hbm>> -> memref<1x1x16xf32, #tpu.memory_space<hbm>>
        %dma_start3A_133 = tpu.memref_squeeze %dma_start3A_132 : memref<1x1x16xf32, #tpu.memory_space<hbm>> -> memref<16xf32, #tpu.memory_space<hbm>>
        %dma_start3A_134 = arith.constant 0 : i32
        %dma_start3A_135 = tpu.memref_slice %arg6[%scan3A_112, %add3A, %dma_start3A_134] : memref<2x32x16xf32, #tpu.memory_space<hbm>> -> memref<1x1x16xf32, #tpu.memory_space<hbm>>
        %dma_start3A_136 = tpu.memref_squeeze %dma_start3A_135 : memref<1x1x16xf32, #tpu.memory_space<hbm>> -> memref<16xf32, #tpu.memory_space<hbm>>
        tpu.enqueue_dma source(%arg9 : memref<16xf32, #tpu.memory_space<vmem>>) target(%dma_start3A_136 : memref<16xf32, #tpu.memory_space<hbm>>) target_semaphore(%run_scoped3A : memref<!tpu.dma_semaphore, #tpu.memory_space<semaphore_mem>>)
        %dma_wait3A_137 = arith.constant 0 : i32
        %dma_wait3A_138 = tpu.memref_slice %arg6[%scan3A_112, %add3A, %dma_wait3A_137] : memref<2x32x16xf32, #tpu.memory_space<hbm>> -> memref<1x1x16xf32, #tpu.memory_space<hbm>>
        %dma_wait3A_139 = tpu.memref_squeeze %dma_wait3A_138 : memref<1x1x16xf32, #tpu.memory_space<hbm>> -> memref<16xf32, #tpu.memory_space<hbm>>
        %dma_wait3A_140 = arith.constant 0 : i32
        %dma_wait3A_141 = tpu.memref_slice %arg6[%scan3A_112, %add3A, %dma_wait3A_140] : memref<2x32x16xf32, #tpu.memory_space<hbm>> -> memref<1x1x16xf32, #tpu.memory_space<hbm>>
        %dma_wait3A_142 = tpu.memref_squeeze %dma_wait3A_141 : memref<1x1x16xf32, #tpu.memory_space<hbm>> -> memref<16xf32, #tpu.memory_space<hbm>>
        tpu.wait_dma2 semaphore(%run_scoped3A : memref<!tpu.dma_semaphore, #tpu.memory_space<semaphore_mem>>) src(%arg9 : memref<16xf32, #tpu.memory_space<vmem>>) dst(%dma_wait3A_142 : memref<16xf32, #tpu.memory_space<hbm>>)
        tpu.yield
      }) : () -> ()
      %scan3A_130 = arith.constant 0 : i32
      scf.yield %scan3A_130 : i32
    }
    %scan3A_111 = arith.constant 2 : i32
    return
  }
}

module attributes {stable_mosaic.version = 14 : i64} {
  func.func @_tc_body(%arg0: i32, %arg1: memref<26x2048xf32, #tpu.memory_space<vmem>>, %arg2: memref<26x2048xf32, #tpu.memory_space<vmem>>, %arg3: memref<26x2048xf32, #tpu.memory_space<vmem>>, %arg4: memref<26x2048xf32, #tpu.memory_space<vmem>>, %arg5: memref<2x26xf32, #tpu.memory_space<vmem>>) attributes {dimension_semantics = [#tpu.dimension_semantics<arbitrary>], iteration_bounds = array<i64: 6>, scalar_prefetch = 0 : i64, scratch_operands = 0 : i64, tpu.core_type = #tpu.core_type<tc>, window_params = [{transform_indices = @transform_0, window_bounds = array<i64: 26, 2048>}, {transform_indices = @transform_1, window_bounds = array<i64: 26, 2048>}, {transform_indices = @transform_2, window_bounds = array<i64: 26, 2048>}, {transform_indices = @transform_3, window_bounds = array<i64: 26, 2048>}, {pipeline_mode = #tpu.pipeline_mode<synchronous>, transform_indices = @transform_4, window_bounds = array<i64: 2, 26>}]} {
    %eq3A = arith.constant 0 : i32
    %eq3A_0 = arith.cmpi eq, %arg0, %eq3A : i32
    %convert_element_type3A = arith.extui %eq3A_0 : i1 to i32
    %cond3A = arith.constant 0 : i32
    %cond3A_1 = arith.cmpi ne, %convert_element_type3A, %cond3A : i32
    scf.if %cond3A_1 {
      %broadcast_in_dim3A = arith.constant 0.000000e+00 : f32
      %broadcast_in_dim3A_51 = vector.broadcast %broadcast_in_dim3A : f32 to vector<2x26xf32>
      %swap3A_52 = arith.constant 0 : index
      %swap3A_53 = arith.constant 0 : index
      %swap3A_54 = vector.load %arg5[%swap3A_52, %swap3A_53] : memref<2x26xf32, #tpu.memory_space<vmem>>, vector<2x26xf32>
      tpu.vector_store %arg5[%swap3A_52, %swap3A_53], %broadcast_in_dim3A_51 {strides = array<i32>} : memref<2x26xf32, #tpu.memory_space<vmem>>, vector<2x26xf32>,
    } else {
    }
    %get3A = arith.constant 0 : index
    %get3A_2 = arith.constant 0 : index
    %get3A_3 = vector.load %arg5[%get3A, %get3A_2] : memref<2x26xf32, #tpu.memory_space<vmem>>, vector<1x26xf32>
    %get3A_4 = vector.shape_cast %get3A_3 : vector<1x26xf32> to vector<26xf32>
    %get3A_5 = arith.constant 0 : index
    %get3A_6 = arith.constant 0 : index
    %get3A_7 = vector.load %arg1[%get3A_5, %get3A_6] : memref<26x2048xf32, #tpu.memory_space<vmem>>, vector<26x2048xf32>
    %jit3A = arith.constant 0.00999999977 : f32
    %jit3A_8 = arith.constant 9.900000e-01 : f32
    %max3A = vector.broadcast %jit3A : f32 to vector<26x2048xf32>
    %max3A_9 = arith.maximumf %max3A, %get3A_7 : vector<26x2048xf32>
    %min3A = vector.broadcast %jit3A_8 : f32 to vector<26x2048xf32>
    %min3A_10 = arith.minimumf %min3A, %max3A_9 : vector<26x2048xf32>
    %add3A = arith.constant 1.000000e-10 : f32
    %add3A_11 = vector.broadcast %add3A : f32 to vector<26x2048xf32>
    %add3A_12 = arith.addf %min3A_10, %add3A_11 : vector<26x2048xf32>
    %get3A_13 = arith.constant 0 : index
    %get3A_14 = arith.constant 0 : index
    %get3A_15 = vector.load %arg4[%get3A_13, %get3A_14] : memref<26x2048xf32, #tpu.memory_space<vmem>>, vector<26x2048xf32>
    %log3A = math.log %add3A_12 : vector<26x2048xf32>
    %mul3A = arith.mulf %get3A_15, %log3A : vector<26x2048xf32>
    %reduce_sum3A = arith.constant dense<0.000000e+00> : vector<26xf32>
    %reduce_sum3A_16 = vector.multi_reduction <add>, %mul3A, %reduce_sum3A [1] : vector<26x2048xf32> to vector<26xf32>
    %add3A_17 = arith.addf %get3A_4, %reduce_sum3A_16 : vector<26xf32>
    %swap3A = arith.constant 0 : index
    %swap3A_18 = arith.constant 0 : index
    %swap3A_19 = vector.load %arg5[%swap3A, %swap3A_18] : memref<2x26xf32, #tpu.memory_space<vmem>>, vector<1x26xf32>
    %swap3A_20 = vector.shape_cast %swap3A_19 : vector<1x26xf32> to vector<26xf32>
    %swap3A_21 = vector.shape_cast %add3A_17 : vector<26xf32> to vector<1x26xf32>
    tpu.vector_store %arg5[%swap3A, %swap3A_18], %swap3A_21 {strides = array<i32>} : memref<2x26xf32, #tpu.memory_space<vmem>>, vector<1x26xf32>,
    %get3A_22 = arith.constant 1 : index
    %get3A_23 = arith.constant 0 : index
    %get3A_24 = vector.load %arg5[%get3A_22, %get3A_23] : memref<2x26xf32, #tpu.memory_space<vmem>>, vector<1x26xf32>
    %get3A_25 = vector.shape_cast %get3A_24 : vector<1x26xf32> to vector<26xf32>
    %get3A_26 = arith.constant 0 : index
    %get3A_27 = arith.constant 0 : index
    %get3A_28 = vector.load %arg2[%get3A_26, %get3A_27] : memref<26x2048xf32, #tpu.memory_space<vmem>>, vector<26x2048xf32>
    %jit3A_29 = arith.constant 0.00999999977 : f32
    %jit3A_30 = arith.constant 9.900000e-01 : f32
    %max3A_31 = vector.broadcast %jit3A_29 : f32 to vector<26x2048xf32>
    %max3A_32 = arith.maximumf %max3A_31, %get3A_28 : vector<26x2048xf32>
    %min3A_33 = vector.broadcast %jit3A_30 : f32 to vector<26x2048xf32>
    %min3A_34 = arith.minimumf %min3A_33, %max3A_32 : vector<26x2048xf32>
    %add3A_35 = arith.constant 1.000000e-10 : f32
    %add3A_36 = vector.broadcast %add3A_35 : f32 to vector<26x2048xf32>
    %add3A_37 = arith.addf %min3A_34, %add3A_36 : vector<26x2048xf32>
    %get3A_38 = arith.constant 0 : index
    %get3A_39 = arith.constant 0 : index
    %get3A_40 = vector.load %arg3[%get3A_38, %get3A_39] : memref<26x2048xf32, #tpu.memory_space<vmem>>, vector<26x2048xf32>
    %log3A_41 = math.log %add3A_37 : vector<26x2048xf32>
    %mul3A_42 = arith.mulf %get3A_40, %log3A_41 : vector<26x2048xf32>
    %reduce_sum3A_43 = arith.constant dense<0.000000e+00> : vector<26xf32>
    %reduce_sum3A_44 = vector.multi_reduction <add>, %mul3A_42, %reduce_sum3A_43 [1] : vector<26x2048xf32> to vector<26xf32>
    %add3A_45 = arith.addf %get3A_25, %reduce_sum3A_44 : vector<26xf32>
    %swap3A_46 = arith.constant 1 : index
    %swap3A_47 = arith.constant 0 : index
    %swap3A_48 = vector.load %arg5[%swap3A_46, %swap3A_47] : memref<2x26xf32, #tpu.memory_space<vmem>>, vector<1x26xf32>
    %swap3A_49 = vector.shape_cast %swap3A_48 : vector<1x26xf32> to vector<26xf32>
    %swap3A_50 = vector.shape_cast %add3A_45 : vector<26xf32> to vector<1x26xf32>
    tpu.vector_store %arg5[%swap3A_46, %swap3A_47], %swap3A_50 {strides = array<i32>} : memref<2x26xf32, #tpu.memory_space<vmem>>, vector<1x26xf32>,
    return
  }
  func.func @transform_0(%arg0: i32) -> (i32, i32) {
    %add3A = arith.constant 2 : i32
    %add3A_0 = arith.addi %arg0, %add3A : i32
    %c0_i32 = arith.constant 0 : i32
    %c0_i32_1 = arith.constant 0 : i32
    return %c0_i32, %add3A_0 : i32, i32
  }
  func.func @transform_1(%arg0: i32) -> (i32, i32) {
    %add3A = arith.constant 2 : i32
    %add3A_0 = arith.addi %arg0, %add3A : i32
    %c0_i32 = arith.constant 0 : i32
    %c0_i32_1 = arith.constant 0 : i32
    return %c0_i32, %add3A_0 : i32, i32
  }
  func.func @transform_2(%arg0: i32) -> (i32, i32) {
    %add3A = arith.constant 2 : i32
    %add3A_0 = arith.addi %arg0, %add3A : i32
    %c0_i32 = arith.constant 0 : i32
    %c0_i32_1 = arith.constant 0 : i32
    return %c0_i32, %add3A_0 : i32, i32
  }
  func.func @transform_3(%arg0: i32) -> (i32, i32) {
    %add3A = arith.constant 2 : i32
    %add3A_0 = arith.addi %arg0, %add3A : i32
    %c0_i32 = arith.constant 0 : i32
    %c0_i32_1 = arith.constant 0 : i32
    return %c0_i32, %add3A_0 : i32, i32
  }
  func.func @transform_4(%arg0: i32) -> (i32, i32) {
    %c0_i32 = arith.constant 0 : i32
    %c0_i32_0 = arith.constant 0 : i32
    %c0_i32_1 = arith.constant 0 : i32
    return %c0_i32, %c0_i32_0 : i32, i32
  }
}

</mosaic_0001>

<sc_bundles>
// kernel: kernel.4.cloned.1.call-start
scs
__scs_entry_jumppad:
0x0: {  	(pc) =	sbr.rel $0x88, $3  }
0x1: {  	(tag) =	ssettag $0x0;
	lr =	simm.s32 $0x1  }
0x2: {  	[smem:$0x3F9D] =	sst lr;
	_ =	strace $0xD0000000  }
0x3: {  	_ = 	snop  }
0x4: {  	_ = 	snop  }
0x5: {  	_ = 	snop  }
0x6: {  	_ = 	snop  }
0x7: {  	_ = 	snop  }
__scs_overlays_trampoline_lowered:
0x8: {  	[smem:$0x3FAC] =	sst s0  }
0x9: {  	[smem:$0x3FAD] =	sst s1  }
0xa: {  	[smem:$0x3FAE] =	sst s2  }
0xb: {  	[smem:$0x3FAF] =	sst s3  }
0xc: {  	[smem:$0x3FB0] =	sst s4  }
0xd: {  	[smem:$0x3FB1] =	sst s5  }
0xe: {  	[smem:$0x3FB2] =	sst s6  }
0xf: {  	[smem:$0x3FB3] =	sst s7  }
0x10: {  	[smem:$0x3FB4] =	sst s8  }
0x11: {  	[smem:$0x3FB5] =	sst s9;
	s0 =	simm.s32 @!p0 $0x0  }
0x12: {  	s1 =	sld [smem:$0x3F9B];
	s0 =	simm.s32 @p0 $0x1  }
0x13: {  	[smem:$0x3FB6] =	sst s0;
	s0 =	simm.s32 @!p1 $0x0  }
0x14: {  	s2 =	sld [smem:$0x3F9A];
	s0 =	simm.s32 @p1 $0x1  }
0x15: {  	[smem:$0x3FB7] =	sst s0;
	s0 =	simm.s32 @!p2 $0x0  }
0x16: {  	s3 =	sld [smem:$0x3FDB];
	s0 =	simm.s32 @p2 $0x1  }
0x17: {  	s4 =	simm.s32 $0x1BF5;
	[smem:$0x3FB9] =	sst s0  }
0x18: {  	s0 =	sld [smem:$0x3F9C];
	_ =	swait.ge [sflag:s4], $0x0  }
0x19: {  	s7 =	sld [smem:$0x3F9D]  }
0x1a: {  	s8 =	sadd.s32 $0xFFFFE003, lr  }
0x1b: {  	s9 =	sadd.s32 $0xFFFFFEF7, lr;
	s5 =	simm.s32 $0xFFFFFFFF;
	p2 =	slt.u32 s8, $0xFFFFF086  }
0x1c: {  	p1 =	slt.u32 s9, $0xF7A;
	s5 =	simm.s32 @!p2 $0x0  }
0x1d: {  	s5 =	simm.s32 @p1 $0x1;
	p0 =	seq.s32 s7, s2  }
0x1e: {  	s7 =	smul.u32 @!p0 $0xF7A, s2;
	p2 =	seq.s32 @!p0 s5, $0x0  }
0x1f: {  	s9 =	smul.u32 $0xF7A, s1;
	s8 =	simm.s32 @!p0 $0x1BF5;
	p2 =	por !p2, p0  }
0x20: {  	[sflag:s8] =	ssyncset.s32 @!p0 $0xFFFFF086;
	s6 =	sadd.s32 @!p0 s3, s7;
	s7 =	simm.s32 @!p0 $0x108  }
0x21: {  	s3 =	sadd.s32 s3, s9;
	s6 =	sadd.s32 @!p0 $0x88, s6;
	s7 =	simm.s32 @p2 $0x1082  }
0x22: {  	[simem:s7], [sflag:s8] =	dma.local @!p0 [hbm:s6], $0xF7A  }
0x23: {  	s9 =	sor.u32 $0xD0000000, s2;
	s6 =	simm.s32 $0x108;
	_ =	swait.ge @!p0 [sflag:s8], $0x0  }
0x24: {  	s3 =	sadd.s32 $0x88, s3;
	s6 =	simm.s32 @!p1 $0x1082;
	[sflag:s4] =	ssyncset.s32 $0xFFFFF086  }
0x25: {  	[simem:s6], [sflag:s4] =	dma.local [hbm:s3], $0xF7A  }
0x26: {  	[smem:$0x3F9D] =	sst s1;
	(tag) =	ssettag s2;
	_ =	strace s9  }
0x27: {  	s1 =	sld [smem:$0x3FAD]  }
0x28: {  	s2 =	sld [smem:$0x3FAE]  }
0x29: {  	s4 =	sld [smem:$0x3FB0]  }
0x2a: {  	p0 =	seq.s32 s5, $0x0;
	s5 =	sld [smem:$0x3FB1]  }
0x2b: {  	s6 =	sld [smem:$0x3FB2]  }
0x2c: {  	s7 =	sld [smem:$0x3FB3]  }
0x2d: {  	s3 =	simm.s32 $0x108;
	s8 =	sld [smem:$0x3FB4]  }
0x2e: {  	s3 =	simm.s32 @!p0 $0x1082;
	s9 =	sld [smem:$0x3FB5]  }
0x2f: {  	lr =	sadd.s32 s0, s3;
	s0 =	sld [smem:$0x3FAC]  }
0x30: {  	s3 =	sld [smem:$0x3FAF]  }
0x31: {  	[smem:$0x3FB8] =	sst s10  }
0x32: {  	s10 =	sld [smem:$0x3FB6];
	_ =	sdelay $0x3  }
0x33: {  	p0 =	seq.s32 s10, $0x1;
	s10 =	sld [smem:$0x3FB8];
	_ =	sdelay $0x3  }
0x34: {  	[smem:$0x3FB8] =	sst s10  }
0x35: {  	s10 =	sld [smem:$0x3FB7];
	_ =	sdelay $0x3  }
0x36: {  	p1 =	seq.s32 s10, $0x1;
	s10 =	sld [smem:$0x3FB8];
	_ =	sdelay $0x3  }
0x37: {  	[smem:$0x3FB8] =	sst s10  }
0x38: {  	s10 =	sld [smem:$0x3FB9]  }
0x39: {  	_ = 	snop;
	(pc) =	sbr.ind lr, $3  }
0x3a: {  	_ = 	snop  }
0x3b: {  	_ = 	snop  }
0x3c: {  	p2 =	seq.s32 s10, $0x1;
	s10 =	sld [smem:$0x3FB8]  }
0x3d: {  	_ =	shalt  }
0x3e: {  	_ =	shalt  }
0x3f: {  	_ =	shalt  }
0x40: {  	_ =	shalt  }
0x41: {  	_ =	shalt  }
0x42: {  	_ =	shalt  }
0x43: {  	_ =	shalt  }
0x44: {  	_ =	shalt  }
0x45: {  	_ =	shalt  }
0x46: {  	_ =	shalt  }
0x47: {  	_ =	shalt  }
0x48: {  	_ =	shalt  }
0x49: {  	_ =	shalt  }
0x4a: {  	_ =	shalt  }
0x4b: {  	_ =	shalt  }
0x4c: {  	_ =	shalt  }
0x4d: {  	_ =	shalt  }
0x4e: {  	_ =	shalt  }
0x4f: {  	_ =	shalt  }
0x50: {  	_ =	shalt  }
0x51: {  	_ =	shalt  }
0x52: {  	_ =	shalt  }
0x53: {  	_ =	shalt  }
0x54: {  	_ =	shalt  }
0x55: {  	_ =	shalt  }
0x56: {  	_ =	shalt  }
0x57: {  	_ =	shalt  }
0x58: {  	_ =	shalt  }
0x59: {  	_ =	shalt  }
0x5a: {  	_ =	shalt  }
0x5b: {  	_ =	shalt  }
0x5c: {  	_ =	shalt  }
0x5d: {  	_ =	shalt  }
0x5e: {  	_ =	shalt  }
0x5f: {  	_ =	shalt  }
0x60: {  	_ =	shalt  }
0x61: {  	_ =	shalt  }
0x62: {  	_ =	shalt  }
0x63: {  	_ =	shalt  }
0x64: {  	_ =	shalt  }
0x65: {  	_ =	shalt  }
0x66: {  	_ =	shalt  }
0x67: {  	_ =	shalt  }
0x68: {  	_ =	shalt  }
0x69: {  	_ =	shalt  }
0x6a: {  	_ =	shalt  }
0x6b: {  	_ =	shalt  }
0x6c: {  	_ =	shalt  }
0x6d: {  	_ =	shalt  }
0x6e: {  	_ =	shalt  }
0x6f: {  	_ =	shalt  }
0x70: {  	_ =	shalt  }
0x71: {  	_ =	shalt  }
0x72: {  	_ =	shalt  }
0x73: {  	_ =	shalt  }
0x74: {  	_ =	shalt  }
0x75: {  	_ =	shalt  }
0x76: {  	_ =	shalt  }
0x77: {  	_ =	shalt  }
0x78: {  	_ =	shalt  }
0x79: {  	_ =	shalt  }
0x7a: {  	_ =	shalt  }
0x7b: {  	_ =	shalt  }
0x7c: {  	_ =	shalt  }
0x7d: {  	_ =	shalt  }
0x7e: {  	_ =	shalt  }
0x7f: {  	_ =	shalt  }
0x80: {  	_ =	shalt  }
0x81: {  	_ =	shalt  }
0x82: {  	_ =	shalt  }
0x83: {  	_ =	shalt  }
0x84: {  	_ =	shalt  }
0x85: {  	_ =	shalt  }
0x86: {  	_ =	shalt  }
0x87: {  	_ =	shalt  }
.Lfunc_end0:
.L_simem_size_0:
called_computation_lowered:
.L_overlay_start_0:
0x88: {  	s2 =	sld [smem:$0x3FD9]  }
0x89: {  	s3 =	sld [smem:$0x3FFE];
	_ =	sdelay $0x1  }
0x8a: {  	s1 =	srdreg.scid  }
0x8b: {  	s0 =	sand.u32 $0x1, s1  }
0x8c: {  	s17 =	sshll.u32 s0, $0xA;
	s2 =	sadd.s32 s3, s2  }
0x8d: {  	s2 =	sadd.s32 s2, s17  }
0x8e: {  	[smem:$0x3FC4] =	sst s2  }
0x8f: {  	_ = 	snop  }
0x90: {  	s2 =	sld [smem:$0x3FC9]  }
0x91: {  	s18 =	sld [smem:$0x3FC8]  }
0x92: {  	s4 =	sld [smem:$0x3FC7]  }
0x93: {  	s5 =	sld [smem:$0x3FC6];
	(tm) =	ssettm $0x1  }
0x94: {  	s6 =	sld [smem:$0x3FFB];
	_ =	sdelay $0x3  }
0x95: {  	_ =	strace s6  }
0x96: {  	s6 =	sld [smem:$0x3FFC];
	_ =	sdelay $0x3  }
0x97: {  	_ =	strace s6  }
0x98: {  	s6 =	sld [smem:$0x3FFD];
	_ =	sdelay $0x3  }
0x99: {  	_ =	strace s6  }
0x9a: {  	_ =	strace $0x8FFFFFFF  }
0x9b: {  	s19 =	sld [smem:$0x3FDB];
	_ =	sdelay $0x1  }
0x9c: {  	s7 =	simm.s32 $_scs_section_size  }
0x9d: {  	s8 =	simm.s32 $_size__tile_overlayer_lowered;
	s9 =	simm.s32 $_tile_overlayer_lowered  }
0x9e: {  	s22 =	simm.s32 $0x1BFF;
	s21 =	sshll.u32 s9, $0x1;
	s6 =	sadd.s32 s7, s19  }
0x9f: {  	s10 =	simm.s32 $0x0;
	s20 =	sshll.u32 s8, $0x1;
	s8 =	sadd.s32 s21, s6  }
0xa0: {  	[timem:s10], [sflag:s22] =	dma.local [hbm:s8], s20  }
0xa1: {  	_ =	swait.ge [sflag:s22], s20  }
0xa2: {  	s7 =	ssub.s32 $0x0, s20;
	[sflag:s22] =	ssyncset.done $0x0  }
0xa3: {  	[sflag:s22] =	ssyncadd.s32 s7;
	_ =	sdelay $0x1  }
0xa4: {  	s23 =	simm.s32 $0x1B8B  }
0xa5: {  	_ =	swait.ge [sflag:s23], $0x1  }
0xa6: {  	[sflag:s23] =	ssyncset.done $0x0  }
0xa7: {  	s25 =	simm.s32 $0x1B8E;
	s24 =	sld [smem:$0x3FFE];
	[sflag:s23] =	ssyncadd.s32 $0xFFFFFFFF  }
0xa8: {  	s26 =	simm.s32 $execute0_lowered;
	[smem:$0x3FD2] =	sst s25  }
0xa9: {  	s8 =	sshll.u32 s26, $0x1;
	_ =	strace $0x80000046;
	[dreg:$0x1] =	wrdreg $0xFFFFFFFF  }
0xaa: {  	s28 =	simm.s32 $_size_execute0_lowered;
	s6 =	sadd.s32 s6, s8;
	[dreg:$0x0] =	wrdreg $0x0  }
0xab: {  	s8 =	sshll.u32 s28, $0x1;
	[dreg:$0x2] =	wrdreg s6  }
0xac: {  	[dreg:$0x3] =	wrdreg s8  }
0xad: {  	[dreg:$0x4] =	wrdreg $0xC0  }
0xae: {  	_ =	task [dreg:s10], $0x5FFFF  }
0xaf: {  	[dreg:$0x1] =	wrdreg $0xFFFFFFFF  }
0xb0: {  	[dreg:$0x0] =	wrdreg $0x60  }
0xb1: {  	[dreg:$0x2] =	wrdreg s2  }
0xb2: {  	[dreg:$0x3] =	wrdreg s18  }
0xb3: {  	[dreg:$0x4] =	wrdreg s4  }
0xb4: {  	[dreg:$0x5] =	wrdreg s5  }
0xb5: {  	[dreg:$0x6] =	wrdreg s24  }
0xb6: {  	[dreg:$0x7] =	wrdreg $0x9  }
0xb7: {  	_ =	task.clear_ibuf [dreg:s10], $0x8FFFF;
	_ =	strace $0x90000046  }
0xb8: {  	s29 =	simm.s32 $0x9;
	_ =	strace $0x80000048  }
0xb9: {  	_ =	swait.ge [sflag:s29], $0x1  }
0xba: {  	[sflag:s29] =	ssyncadd.s32 $0xFFFFFFFF  }
0xbb: {  	_ =	strace $0x90000048  }
0xbc: {  	_ =	sfence  }
0xbd: {  	s30 =	sld [smem:$0x0];
	_ =	sdelay $0x2  }
0xbe: {  	s31 =	sshll.u32 s1, $0xD;
	s1 =	sshrl.u32 s1, $0x2  }
0xbf: {  	s3 =	sand.u32 $0x4000, s31;
	s1 =	sadd.s32 s1, s30  }
0xc0: {  	s0 =	sor.u32 s3, s0;
	s1 =	sshll.u32 s1, $0x11  }
0xc1: {  	s0 =	sor.u32 s1, s0  }
0xc2: {  	s0 =	sadd.s32 $0x8F2B, s0  }
0xc3: {  	[sflag:s0] =	ssyncadd.remote.s32 $0x1  }
0xc4: {  	_ =	sfence.sel $0xFFFF  }
0xc5: {  	[dreg:$0x0] =	wrdreg $0xFFFFFFFF;
	(pc) =	sbr.abs _section_cstart, $3  }
0xc6: {  	[dreg:$0x1] =	wrdreg $0xFFFFFFFF  }
0xc7: {  	_ =	task.clear_ibuf [dreg:s10], $0x2FFFF;
	_ =	strace $0x9FFFFFFF  }
0xc8: {  	(tm) =	ssettm $0x7FFFFFFF  }
0xc9: {  	_ =	shalt  }
tec
execute0_lowered:
.L_overlay_start_1:
0x0: {  	(tag) =	ssettag $0x1  }
0x1: {  	s0 =	rddreg [dreg:$0x0]  }
0x2: {  	s7 =	rddreg [dreg:$0x1]  }
0x3: {  	s8 =	rddreg [dreg:$0x2]  }
0x4: {  	s4 =	rddreg [dreg:$0x3]  }
0x5: {  	s3 =	rddreg [dreg:$0x4];
	s2 =	simm.s32 $0x0;
	s1 =	stileid.u32  }
0x6: {  	s5 =	srdreg.scid;
	s14 =	simm.s32 $0x20000;
	s15 =	simm.s32 $0xC00  }
0x7: {  	s16 =	simm.s32 $0x2000;
	s17 =	simm.s32 $0x2C00;
	s18 =	simm.s32 $0x1000  }
0x8: {  	s19 =	simm.s32 $0x1C00;
	s20 =	simm.s32 $0x3000;
	s21 =	simm.s32 $0x3C00  }
0x9: {  	s22 =	simm.s32 $0x1;
	s23 =	simm.s32 $0x2;
	s24 =	simm.s32 $0x3  }
0xa: {  	s25 =	simm.s32 $0x4;
	s26 =	simm.s32 $0x4000;
	s28 =	simm.s32 $0x5  }
0xb: {  	s29 =	simm.s32 $0x0;
	[smem:$0x7FF] =	sst s2;
	s6 =	sshll.u32 s1, $0x5  }
0xc: {  	s5 =	sand.u32 $0x1, s5;
	s9 =	sshll.u32 s1, $0x1;
	_ =	strace $0x80000047  }
0xd: {  	s6 =	sand.u32 $0x180, s6;
	s10 =	ssub.s32 $0x2, s5;
	s9 =	sor.u32 s5, s9  }
0xe: {  	s11 =	sadd.s32 s6, s3;
	s30 =	sshrl.u32 s10, $0x1;
	s12 =	sshll.u32 s9, $0x7  }
0xf: {  	s31 =	sshll.u32 s9, $0x4;
	s13 =	ssub.s32 s10, s30;
	s3 =	sadd.s32 s0, s12  }
0x10: {  	s4 =	sadd.s32 s4, s12;
	s7 =	sadd.s32 s7, s12;
	s8 =	sadd.s32 s8, s12  }
0x11: {  	s0 =	sand.u32 $0x70, s31;
	s5 =	sadd.s32 $0xC000, s3;
	s6 =	sadd.s32 $0xC000, s4  }
0x12: {  	s9 =	sadd.s32 $0xC000, s7;
	s10 =	sadd.s32 $0xC000, s8;
	s0 =	sadd.s32 s0, s11  }
0x13: {  	s12 =	smax.u32 s13, $0x1;
	s13 =	simm.s32 $0x400;
	s11 =	sadd.s32 $0x400, s0  }
.LBB2_1:
0x14: {  	[tilespmem:s2], [sflag:$0x1] =	stream.strided.gather [hbm4b:s3+s13], $0xC00, s14, s13, $0x38;
	[tilespmem:$0x4080] =	vst v63  }
0x15: {  	_ = 	snop  }
0x16: {  	[tilespmem:s15], [sflag:$0x1] =	stream.linear.gather [hbm4b:s5+s2], $0x100, $0x38;
	[tilespmem:$0x4080] =	vst v63  }
0x17: {  	_ = 	snop  }
0x18: {  	[tilespmem:s16], [sflag:$0x2] =	stream.strided.gather [hbm4b:s4+s13], $0xC00, s14, s13, $0x38;
	[tilespmem:$0x4080] =	vst v63  }
0x19: {  	_ = 	snop  }
0x1a: {  	[tilespmem:s17], [sflag:$0x2] =	stream.linear.gather [hbm4b:s6+s2], $0x100, $0x38;
	[tilespmem:$0x4080] =	vst v63  }
0x1b: {  	_ = 	snop  }
0x1c: {  	[tilespmem:s18], [sflag:$0x3] =	stream.strided.gather [hbm4b:s7+s13], $0xC00, s14, s13, $0x38;
	[tilespmem:$0x4080] =	vst v63  }
0x1d: {  	_ = 	snop  }
0x1e: {  	[tilespmem:s19], [sflag:$0x3] =	stream.linear.gather [hbm4b:s9+s2], $0x100, $0x38;
	[tilespmem:$0x4080] =	vst v63  }
0x1f: {  	_ = 	snop  }
0x20: {  	[tilespmem:s20], [sflag:$0x4] =	stream.strided.gather [hbm4b:s8+s13], $0xC00, s14, s13, $0x38;
	[tilespmem:$0x4080] =	vst v63  }
0x21: {  	_ = 	snop  }
0x22: {  	[tilespmem:s21], [sflag:$0x4] =	stream.linear.gather [hbm4b:s10+s2], $0x100, $0x38;
	[tilespmem:$0x4080] =	vst v63  }
0x23: {  	_ =	swait.ge [sflag:s22], $0xD00  }
0x24: {  	[sflag:s22] =	ssyncset.done $0x0  }
0x25: {  	[sflag:s22] =	ssyncadd.s32 $0xFFFFF300  }
0x26: {  	_ =	swait.ge [sflag:s23], $0xD00  }
0x27: {  	[sflag:s23] =	ssyncset.done $0x0  }
0x28: {  	[sflag:s23] =	ssyncadd.s32 $0xFFFFF300  }
0x29: {  	_ =	swait.ge [sflag:s24], $0xD00  }
0x2a: {  	[sflag:s24] =	ssyncset.done $0x0  }
0x2b: {  	[sflag:s24] =	ssyncadd.s32 $0xFFFFF300  }
0x2c: {  	_ =	swait.ge [sflag:s25], $0xD00  }
0x2d: {  	[sflag:s25] =	ssyncset.done $0x0  }
0x2e: {  	p1 =	por $0x1, $0x1;
	s30 =	simm.s32 $0x0;
	[sflag:s25] =	ssyncadd.s32 $0xFFFFF300  }
.LBB2_2:
0x2f: {  	s0 =	sshll.u32 s30, $0xC  }
0x30: {  	s0 =	sand.u32 $0x3FFFF000, s0  }
0x31: {  	v1 =	vmov s0;
	_ =	sdelay $0x3  }
0x32: {  	s31 =	simm.s32 $0x0  }
0x33: {  	v2 =	vld.idx.msk [tilespmem:v1+s31+$0x900 ss:$0x1], $0xffff  }
0x34: {  	v3 =	vld.idx.msk [tilespmem:v1+s31+$0x980 ss:$0x1], $0xffff  }
0x35: {  	v4 =	vld.idx.msk [tilespmem:v1+s31+$0xA00 ss:$0x1], $0xffff  }
0x36: {  	v5 =	vld.idx.msk [tilespmem:v1+s31+$0xA80 ss:$0x1], $0xffff  }
0x37: {  	v6 =	vld.idx.msk [tilespmem:v1+s31+$0xB00 ss:$0x1], $0xffff  }
0x38: {  	v7 =	vld.idx.msk [tilespmem:v1+s31+$0xB80 ss:$0x1], $0xffff  }
0x39: {  	v8 =	vld.idx.msk [tilespmem:v1+s31+$0xC00 ss:$0x1], $0xffff  }
0x3a: {  	v9 =	vld.idx.msk [tilespmem:v1+s31+$0xC80 ss:$0x1], $0xffff  }
0x3b: {  	v10 =	vld.idx.msk [tilespmem:v1+s31+$0x500 ss:$0x1], $0xffff  }
0x3c: {  	v11 =	vld.idx.msk [tilespmem:v1+s31+$0x580 ss:$0x1], $0xffff  }
0x3d: {  	v12 =	vld.idx.msk [tilespmem:v1+s31+$0x600 ss:$0x1], $0xffff  }
0x3e: {  	v13 =	vld.idx.msk [tilespmem:v1+s31+$0x680 ss:$0x1], $0xffff  }
0x3f: {  	v14 =	vld.idx.msk [tilespmem:v1+s31+$0x700 ss:$0x1], $0xffff  }
0x40: {  	v15 =	vld.idx.msk [tilespmem:v1+s31+$0x780 ss:$0x1], $0xffff  }
0x41: {  	v16 =	vld.idx.msk [tilespmem:v1+s31+$0x800 ss:$0x1], $0xffff  }
0x42: {  	v17 =	vld.idx.msk [tilespmem:v1+s31+$0x880 ss:$0x1], $0xffff  }
0x43: {  	v18 =	vld.idx.msk [tilespmem:v1+s31+$0x100 ss:$0x1], $0xffff  }
0x44: {  	v19 =	vld.idx.msk [tilespmem:v1+s31+$0x180 ss:$0x1], $0xffff  }
0x45: {  	v20 =	vld.idx.msk [tilespmem:v1+s31+$0x200 ss:$0x1], $0xffff  }
0x46: {  	v21 =	vld.idx.msk [tilespmem:v1+s31+$0x280 ss:$0x1], $0xffff  }
0x47: {  	v22 =	vld.idx.msk [tilespmem:v1+s31+$0x300 ss:$0x1], $0xffff  }
0x48: {  	s0 =	sadd.s32 $0x2680, s0;
	v23 =	vld.idx.msk [tilespmem:v1+s31+$0x380 ss:$0x1], $0xffff  }
0x49: {  	v0 =	vmov s0;
	v24 =	vld.idx.msk [tilespmem:v1+s31+$0x400 ss:$0x1], $0xffff;
	v2 =	vmax.f32 v2, $9.999999770e-03;
	v3 =	vmax.f32 v3, $9.999999770e-03  }
0x4a: {  	v25 =	vld.idx.msk [tilespmem:v1+s31+$0x480 ss:$0x1], $0xffff;
	v4 =	vmax.f32 v4, $9.999999770e-03;
	v5 =	vmax.f32 v5, $9.999999770e-03;
	v6 =	vmax.f32 v6, $9.999999770e-03  }
0x4b: {  	v26 =	vld.idx.msk [tilespmem:v1+s31+$0x0 ss:$0x1], $0xffff;
	v7 =	vmax.f32 v7, $9.999999770e-03;
	v10 =	vmax.f32 v10, $9.999999770e-03;
	v8 =	vmax.f32 v8, $9.999999770e-03  }
0x4c: {  	v27 =	vld.idx.msk [tilespmem:v1+s31+$0x80 ss:$0x1], $0xffff;
	v9 =	vmax.f32 v9, $9.999999770e-03;
	v11 =	vmax.f32 v11, $9.999999770e-03;
	v12 =	vmax.f32 v12, $9.999999770e-03  }
0x4d: {  	v13 =	vmax.f32 v13, $9.999999770e-03;
	v14 =	vmax.f32 v14, $9.999999770e-03;
	v15 =	vmax.f32 v15, $9.999999770e-03  }
0x4e: {  	v16 =	vmax.f32 v16, $9.999999770e-03;
	v18 =	vmax.f32 v18, $9.999999770e-03;
	v19 =	vmax.f32 v19, $9.999999770e-03  }
0x4f: {  	v17 =	vmax.f32 v17, $9.999999770e-03;
	v20 =	vmax.f32 v20, $9.999999770e-03;
	v21 =	vmax.f32 v21, $9.999999770e-03  }
0x50: {  	v22 =	vmax.f32 v22, $9.999999770e-03;
	v23 =	vmax.f32 v23, $9.999999770e-03;
	v24 =	vmax.f32 v24, $9.999999770e-03  }
0x51: {  	v25 =	vmax.f32 v25, $9.999999770e-03;
	v26 =	vmax.f32 v26, $9.999999770e-03;
	v27 =	vmax.f32 v27, $9.999999770e-03  }
0x52: {  	v2 =	vmin.f32 v2, $9.900000090e-01;
	v3 =	vmin.f32 v3, $9.900000090e-01;
	v4 =	vmin.f32 v4, $9.900000090e-01  }
0x53: {  	v5 =	vmin.f32 v5, $9.900000090e-01;
	v6 =	vmin.f32 v6, $9.900000090e-01;
	v7 =	vmin.f32 v7, $9.900000090e-01  }
0x54: {  	v8 =	vmin.f32 v8, $9.900000090e-01;
	v10 =	vmin.f32 v10, $9.900000090e-01;
	v11 =	vmin.f32 v11, $9.900000090e-01  }
0x55: {  	v9 =	vmin.f32 v9, $9.900000090e-01;
	v12 =	vmin.f32 v12, $9.900000090e-01;
	v13 =	vmin.f32 v13, $9.900000090e-01  }
0x56: {  	v14 =	vmin.f32 v14, $9.900000090e-01;
	v15 =	vmin.f32 v15, $9.900000090e-01;
	v16 =	vmin.f32 v16, $9.900000090e-01  }
0x57: {  	v17 =	vmin.f32 v17, $9.900000090e-01;
	v18 =	vmin.f32 v18, $9.900000090e-01;
	v19 =	vmin.f32 v19, $9.900000090e-01  }
0x58: {  	v20 =	vmin.f32 v20, $9.900000090e-01;
	v21 =	vmin.f32 v21, $9.900000090e-01;
	v22 =	vmin.f32 v22, $9.900000090e-01  }
0x59: {  	v23 =	vmin.f32 v23, $9.900000090e-01;
	v26 =	vmin.f32 v26, $9.900000090e-01;
	v24 =	vmin.f32 v24, $9.900000090e-01  }
0x5a: {  	v25 =	vmin.f32 v25, $9.900000090e-01;
	v27 =	vmin.f32 v27, $9.900000090e-01;
	v28 =	vshra.s32 v2, $0x17  }
0x5b: {  	v29 =	vshra.s32 v3, $0x17;
	v30 =	vshra.s32 v4, $0x17;
	v31 =	vshra.s32 v5, $0x17  }
0x5c: {  	v32 =	vshra.s32 v6, $0x17;
	v33 =	vshra.s32 v7, $0x17;
	v34 =	vshra.s32 v8, $0x17  }
0x5d: {  	v35 =	vshra.s32 v9, $0x17;
	v36 =	vshra.s32 v10, $0x17;
	v37 =	vshra.s32 v11, $0x17  }
0x5e: {  	v38 =	vshra.s32 v12, $0x17;
	v39 =	vshra.s32 v13, $0x17;
	v40 =	vshra.s32 v14, $0x17  }
0x5f: {  	v41 =	vshra.s32 v15, $0x17;
	v42 =	vshra.s32 v18, $0x17;
	v43 =	vshra.s32 v16, $0x17  }
0x60: {  	v44 =	vshra.s32 v17, $0x17;
	v45 =	vshra.s32 v19, $0x17;
	v46 =	vshra.s32 v20, $0x17  }
0x61: {  	v47 =	vshra.s32 v21, $0x17;
	v48 =	vshra.s32 v22, $0x17;
	v49 =	vshra.s32 v23, $0x17  }
0x62: {  	v50 =	vshra.s32 v24, $0x17;
	v51 =	vshra.s32 v26, $0x17;
	v52 =	vshra.s32 v27, $0x17  }
0x63: {  	v53 =	vshra.s32 v25, $0x17;
	v2 =	vand.u32 $0x7FFFFF, v2;
	v3 =	vand.u32 $0x7FFFFF, v3  }
0x64: {  	v54 =	vand.u32 $0x7FFFFF, v4;
	v5 =	vand.u32 $0x7FFFFF, v5;
	v6 =	vand.u32 $0x7FFFFF, v6  }
0x65: {  	v55 =	vand.u32 $0x7FFFFF, v7;
	v10 =	vand.u32 $0x7FFFFF, v10;
	v8 =	vand.u32 $0x7FFFFF, v8  }
0x66: {  	v9 =	vand.u32 $0x7FFFFF, v9;
	v11 =	vand.u32 $0x7FFFFF, v11;
	v12 =	vand.u32 $0x7FFFFF, v12  }
0x67: {  	v13 =	vand.u32 $0x7FFFFF, v13;
	v14 =	vand.u32 $0x7FFFFF, v14;
	v15 =	vand.u32 $0x7FFFFF, v15  }
0x68: {  	v16 =	vand.u32 $0x7FFFFF, v16;
	v17 =	vand.u32 $0x7FFFFF, v17;
	v56 =	vand.u32 $0x7FFFFF, v18  }
0x69: {  	v58 =	vand.u32 $0x7FFFFF, v19;
	v20 =	vand.u32 $0x7FFFFF, v20;
	v28 =	vcvt.s32.f32 v28  }
0x6a: {  	v21 =	vand.u32 $0x7FFFFF, v21;
	v29 =	vcvt.s32.f32 v29;
	v30 =	vcvt.s32.f32 v30  }
0x6b: {  	v22 =	vand.u32 $0x7FFFFF, v22;
	v31 =	vcvt.s32.f32 v31;
	v32 =	vcvt.s32.f32 v32  }
0x6c: {  	v23 =	vand.u32 $0x7FFFFF, v23;
	v33 =	vcvt.s32.f32 v33;
	v34 =	vcvt.s32.f32 v34  }
0x6d: {  	v24 =	vand.u32 $0x7FFFFF, v24;
	v57 =	vcvt.s32.f32 v36;
	v35 =	vcvt.s32.f32 v35  }
0x6e: {  	v25 =	vand.u32 $0x7FFFFF, v25;
	v59 =	vcvt.s32.f32 v37;
	v60 =	vcvt.s32.f32 v38  }
0x6f: {  	v26 =	vand.u32 $0x7FFFFF, v26;
	v36 =	vcvt.s32.f32 v39;
	v37 =	vcvt.s32.f32 v40  }
0x70: {  	v27 =	vand.u32 $0x7FFFFF, v27;
	v4 =	vcvt.s32.f32 v41;
	v19 =	vcvt.s32.f32 v43  }
0x71: {  	v18 =	vcvt.s32.f32 v44;
	v2 =	vor.u32 $0x3F800000, v2;
	v3 =	vor.u32 $0x3F800000, v3  }
0x72: {  	v62 =	vor.u32 $0x3F800000, v54;
	v5 =	vor.u32 $0x3F800000, v5;
	v6 =	vor.u32 $0x3F800000, v6  }
0x73: {  	v63 =	vor.u32 $0x3F800000, v55;
	v8 =	vor.u32 $0x3F800000, v8;
	v9 =	vor.u32 $0x3F800000, v9  }
0x74: {  	v10 =	vor.u32 $0x3F800000, v10;
	v11 =	vor.u32 $0x3F800000, v11;
	v12 =	vor.u32 $0x3F800000, v12  }
0x75: {  	v13 =	vor.u32 $0x3F800000, v13;
	v14 =	vor.u32 $0x3F800000, v14;
	v15 =	vor.u32 $0x3F800000, v15  }
0x76: {  	v16 =	vor.u32 $0x3F800000, v16;
	v2 =	vadd.f32 $-1.000000000e+00, v2;
	v3 =	vadd.f32 $-1.000000000e+00, v3  }
0x77: {  	v17 =	vor.u32 $0x3F800000, v17;
	v39 =	vadd.f32 $-1.000000000e+00, v62;
	v5 =	vadd.f32 $-1.000000000e+00, v5  }
0x78: {  	v54 =	vor.u32 $0x3F800000, v20;
	v6 =	vadd.f32 $-1.000000000e+00, v6;
	v40 =	vadd.f32 $-1.000000000e+00, v63  }
0x79: {  	v55 =	vor.u32 $0x3F800000, v21;
	v8 =	vadd.f32 $-1.000000000e+00, v8;
	v10 =	vadd.f32 $-1.000000000e+00, v10  }
0x7a: {  	v7 =	vor.u32 $0x3F800000, v27;
	v9 =	vadd.f32 $-1.000000000e+00, v9;
	v11 =	vadd.f32 $-1.000000000e+00, v11  }
0x7b: {  	v12 =	vadd.f32 $-1.000000000e+00, v12;
	v13 =	vadd.f32 $-1.000000000e+00, v13;
	[tilespmem:$0x1FF50] =	vst v4;
	v4 =	vcvt.s32.f32 v42  }
0x7c: {  	v14 =	vadd.f32 $-1.000000000e+00, v14;
	v27 =	vmul.f32 $6.931471820e-01, v30;
	v30 =	vmul.f32 $6.931471820e-01, v57  }
0x7d: {  	v17 =	vadd.f32 $-1.000000000e+00, v17;
	v61 =	vmul.f32 $1.125501470e-01, v39;
	v62 =	vmul.f32 $1.125501470e-01, v5  }
0x7e: {  	v15 =	vadd.f32 $-1.000000000e+00, v15;
	v63 =	vmul.f32 $1.125501470e-01, v6;
	v38 =	vmul.f32 $1.125501470e-01, v40  }
0x7f: {  	v16 =	vadd.f32 $-1.000000000e+00, v16;
	v57 =	vmul.f32 $1.125501470e-01, v17;
	[tilespmem:$0x1FE70] =	vst v4;
	v4 =	vcvt.s32.f32 v45  }
0x80: {  	v41 =	vadd.f32 $-3.921667340e-01, v62;
	v43 =	vadd.f32 $-3.921667340e-01, v63;
	v62 =	vmul.f32 $1.125501470e-01, v14  }
0x81: {  	v44 =	vadd.f32 $-3.921667340e-01, v38;
	v63 =	vmul.f32 $1.125501470e-01, v15;
	[tilespmem:$0x1FE80] =	vst v4;
	v4 =	vcvt.s32.f32 v46  }
0x82: {  	v42 =	vadd.f32 $-1.000000000e+00, v54;
	v41 =	vmul.f32 v41, v5;
	v43 =	vmul.f32 v43, v6  }
0x83: {  	v44 =	vmul.f32 v44, v40;
	[tilespmem:$0x1FE90] =	vst v4;
	v4 =	vcvt.s32.f32 v47;
	v47 =	vor.u32 $0x3F800000, v24  }
0x84: {  	v24 =	vmul.f32 $6.931471820e-01, v31;
	v31 =	vmul.f32 $1.125501470e-01, v2;
	v41 =	vadd.f32 $9.735508560e-01, v41  }
0x85: {  	[tilespmem:$0x1FEA0] =	vst v4;
	v4 =	vcvt.s32.f32 v48;
	v48 =	vor.u32 $0x3F800000, v25;
	v25 =	vmul.f32 $6.931471820e-01, v33  }
0x86: {  	v31 =	vadd.f32 $-3.921667340e-01, v31;
	v33 =	vadd.f32 $-3.921667340e-01, v61;
	v61 =	vmul.f32 $1.125501470e-01, v11  }
0x87: {  	v5 =	vmul.f32 v41, v5;
	v41 =	vadd.f32 $-3.921667340e-01, v63;
	[tilespmem:$0x1FEB0] =	vst v4;
	v4 =	vcvt.s32.f32 v49  }
0x88: {  	v43 =	vadd.f32 $9.735508560e-01, v43;
	v31 =	vmul.f32 v31, v2;
	v33 =	vmul.f32 v33, v39  }
0x89: {  	v49 =	vor.u32 $0x3F800000, v26;
	v41 =	vmul.f32 v41, v15;
	[tilespmem:$0x1FEC0] =	vst v4;
	v4 =	vcvt.s32.f32 v50  }
0x8a: {  	v50 =	vmul.f32 $1.125501470e-01, v8;
	v31 =	vadd.f32 $9.735508560e-01, v31;
	v33 =	vadd.f32 $9.735508560e-01, v33  }
0x8b: {  	v63 =	vadd.f32 $9.735508560e-01, v41;
	v41 =	vadd.f32 $-1.000000000e+00, v7;
	[tilespmem:$0x1FED0] =	vst v4;
	v4 =	vcvt.s32.f32 v51  }
0x8c: {  	v51 =	vadd.f32 $-1.000000000e+00, v55;
	v39 =	vmul.f32 v33, v39;
	v45 =	vadd.f32 $-3.921667340e-01, v50  }
0x8d: {  	v50 =	vadd.f32 $9.735508560e-01, v44;
	v7 =	vmul.f32 v63, v15;
	[tilespmem:$0x1FEE0] =	vst v4;
	v4 =	vcvt.s32.f32 v53  }
0x8e: {  	v53 =	vor.u32 $0x3F800000, v58;
	v58 =	vor.u32 $0x3F800000, v23;
	v23 =	vmul.f32 $6.931471820e-01, v29  }
0x8f: {  	v33 =	vadd.f32 $-1.000000000e+00, v49;
	v29 =	vmul.f32 $6.931471820e-01, v34;
	v45 =	vmul.f32 v45, v8  }
0x90: {  	v40 =	vmul.f32 v50, v40;
	[tilespmem:$0x1FEF0] =	vst v4;
	v4 =	vcvt.s32.f32 v52;
	v52 =	vor.u32 $0x3F800000, v56  }
0x91: {  	v54 =	vadd.f32 $-1.000000000e+00, v58;
	v56 =	vor.u32 $0x3F800000, v22;
	v34 =	vadd.f32 $-1.000000000e+00, v52  }
0x92: {  	v52 =	vadd.f32 $-1.000000000e+00, v56;
	v56 =	vmul.f32 v31, v2;
	v2 =	vmul.f32 $1.125501470e-01, v12  }
0x93: {  	[tilespmem:$0x1FF00] =	vst v4;
	v4 =	vmul.f32 $6.931471820e-01, v35;
	v35 =	vadd.f32 $-1.000000000e+00, v53;
	v53 =	vmul.f32 $1.125501470e-01, v9  }
0x94: {  	v7 =	vadd.f32 $-8.802877040e+01, v7;
	v22 =	vmul.f32 $6.931471820e-01, v28;
	v28 =	vmul.f32 $6.931471820e-01, v32  }
0x95: {  	v2 =	vadd.f32 $-3.921667340e-01, v2;
	[tilespmem:$0x1FF10] =	vst v4;
	v4 =	vmul.f32 $6.931471820e-01, v59;
	v53 =	vadd.f32 $-3.921667340e-01, v53  }
0x96: {  	v59 =	vadd.f32 $-3.921667340e-01, v61;
	v61 =	vadd.f32 $-3.921667340e-01, v62;
	v62 =	vmul.f32 $1.125501470e-01, v51  }
0x97: {  	v45 =	vadd.f32 $9.735508560e-01, v45;
	v2 =	vmul.f32 v2, v12;
	[tilespmem:$0x1FF20] =	vst v4;
	v4 =	vmul.f32 $6.931471820e-01, v60  }
0x98: {  	v31 =	vadd.f32 $-1.000000000e+00, v47;
	v60 =	vmul.f32 $1.125501470e-01, v3;
	v44 =	vmul.f32 v53, v9  }
0x99: {  	v53 =	vmul.f32 v45, v8;
	v8 =	vmul.f32 $1.125501470e-01, v34;
	v2 =	vadd.f32 $9.735508560e-01, v2  }
0x9a: {  	[tilespmem:$0x1FF30] =	vst v4;
	v32 =	vadd.f32 $-3.921667340e-01, v60;
	v60 =	vmul.f32 $1.125501470e-01, v10;
	v4 =	vmul.f32 v43, v6  }
0x9b: {  	v6 =	vmul.f32 $1.125501470e-01, v16;
	v44 =	vadd.f32 $9.735508560e-01, v44;
	v12 =	vmul.f32 v2, v12  }
0x9c: {  	v43 =	vadd.f32 $-3.921667340e-01, v57;
	v2 =	vmul.f32 $1.125501470e-01, v52;
	v32 =	vmul.f32 v32, v3  }
0x9d: {  	v46 =	vadd.f32 $-3.921667340e-01, v60;
	v60 =	vmul.f32 v59, v11;
	v38 =	vmul.f32 v44, v9  }
0x9e: {  	v8 =	vadd.f32 $-3.921667340e-01, v8;
	v9 =	vmul.f32 $1.125501470e-01, v42;
	v44 =	vmul.f32 v61, v14  }
0x9f: {  	v6 =	vadd.f32 $-3.921667340e-01, v6;
	v43 =	vmul.f32 v43, v17;
	v59 =	vadd.f32 $-8.802877040e+01, v56  }
0xa0: {  	v8 =	vmul.f32 v8, v34;
	v4 =	vadd.f32 $-8.802877040e+01, v4;
	v2 =	vadd.f32 $-3.921667340e-01, v2  }
0xa1: {  	v32 =	vadd.f32 $9.735508560e-01, v32;
	v46 =	vmul.f32 v46, v10;
	v45 =	vadd.f32 $9.735508560e-01, v60  }
0xa2: {  	v44 =	vadd.f32 $9.735508560e-01, v44;
	v6 =	vmul.f32 v6, v16;
	v43 =	vadd.f32 $9.735508560e-01, v43  }
0xa3: {  	v9 =	vadd.f32 $-3.921667340e-01, v9;
	v58 =	vmul.f32 v32, v3;
	v3 =	vmul.f32 $1.125501470e-01, v13  }
0xa4: {  	v8 =	vadd.f32 $9.735508560e-01, v8;
	v2 =	vmul.f32 v2, v52;
	v32 =	vadd.f32 $-1.000000000e+00, v48  }
0xa5: {  	v11 =	vmul.f32 v45, v11;
	v48 =	vmul.f32 v44, v14;
	v3 =	vadd.f32 $-3.921667340e-01, v3  }
0xa6: {  	v46 =	vadd.f32 $9.735508560e-01, v46;
	v14 =	vmul.f32 $1.125501470e-01, v31;
	v55 =	vmul.f32 v43, v17  }
0xa7: {  	v6 =	vadd.f32 $9.735508560e-01, v6;
	v17 =	vmul.f32 $1.125501470e-01, v41;
	v3 =	vmul.f32 v3, v13  }
0xa8: {  	v9 =	vmul.f32 v9, v42;
	v49 =	vmul.f32 v46, v10;
	v14 =	vadd.f32 $-3.921667340e-01, v14  }
0xa9: {  	v10 =	vmul.f32 $1.125501470e-01, v35;
	v17 =	vadd.f32 $-3.921667340e-01, v17;
	v3 =	vadd.f32 $9.735508560e-01, v3  }
0xaa: {  	v15 =	vmul.f32 $1.125501470e-01, v32;
	v9 =	vadd.f32 $9.735508560e-01, v9;
	v60 =	vadd.f32 $-8.802877040e+01, v58  }
0xab: {  	v58 =	vadd.f32 $-8.802877040e+01, v5;
	v50 =	vmul.f32 v3, v13;
	v3 =	vmul.f32 $1.125501470e-01, v54  }
0xac: {  	v13 =	vmul.f32 v6, v16;
	v6 =	vmul.f32 $1.125501470e-01, v33;
	v16 =	vadd.f32 $-3.921667340e-01, v62  }
0xad: {  	v5 =	vmul.f32 $6.931471820e-01, v36;
	v11 =	vadd.f32 $-8.802877040e+01, v11;
	v10 =	vadd.f32 $-3.921667340e-01, v10  }
0xae: {  	v43 =	vld.idx.msk [tilespmem:v0+s31+$0x280 ss:$0x1], $0xffff;
	v3 =	vadd.f32 $-3.921667340e-01, v3;
	v6 =	vadd.f32 $-3.921667340e-01, v6;
	v16 =	vmul.f32 v16, v51  }
0xaf: {  	v44 =	vld.idx.msk [tilespmem:v0+s31+$0x300 ss:$0x1], $0xffff;
	v15 =	vadd.f32 $-3.921667340e-01, v15;
	v14 =	vmul.f32 v14, v31;
	v10 =	vmul.f32 v10, v35  }
0xb0: {  	v45 =	vld.idx.msk [tilespmem:v0+s31+$0x380 ss:$0x1], $0xffff;
	v3 =	vmul.f32 v3, v54;
	v47 =	vmul.f32 v6, v33;
	v16 =	vadd.f32 $9.735508560e-01, v16  }
0xb1: {  	v46 =	vld.idx.msk [tilespmem:v0+s31+$0x400 ss:$0x1], $0xffff;
	v10 =	vadd.f32 $9.735508560e-01, v10;
	v6 =	vmul.f32 v8, v34;
	v8 =	vmul.f32 v9, v42  }
0xb2: {  	v36 =	vld.idx.msk [tilespmem:v0+s31+$0x580 ss:$0x1], $0xffff;
	[tilespmem:$0x1FF40] =	vst v5;
	v9 =	vmul.f32 v16, v51;
	v16 =	vmul.f32 $6.931471820e-01, v18;
	v18 =	vimm.f32 $0.0e+00  }
0xb3: {  	v17 =	vmul.f32 v17, v41;
	v61 =	vadd.f32 $9.735508560e-01, v3;
	v3 =	vadd.f32 $9.735508560e-01, v14;
	v14 =	vld [tilespmem:$0x1FF50];
	[tilespmem:$0x1FF80] =	vst v18  }
0xb4: {  	v56 =	vadd.f32 $-8.802877040e+01, v49;
	v49 =	vld.idx.msk [tilespmem:v0+s31+$0xFFFFFE80 ss:$0x1], $0xffff;
	v15 =	vmul.f32 v15, v32;
	v18 =	vimm.f32 $0.0e+00;
	[tilespmem:$0x1FF70] =	vst v16  }
0xb5: {  	v57 =	vmul.f32 v10, v35;
	v10 =	vadd.f32 $-8.802877040e+01, v53;
	v53 =	vld.idx.msk [tilespmem:v0+s31+$0x80 ss:$0x1], $0xffff;
	[tilespmem:$0x1FF90] =	vst v18;
	v18 =	vimm.f32 $0.0e+00  }
0xb6: {  	v34 =	vadd.f32 $9.735508560e-01, v2;
	v2 =	vadd.f32 $9.735508560e-01, v15;
	v42 =	vld.idx.msk [tilespmem:v0+s31+$0x500 ss:$0x1], $0xffff;
	[tilespmem:$0x1FFA0] =	vst v18;
	v18 =	vimm.f32 $0.0e+00  }
0xb7: {  	v15 =	vadd.f32 $-8.802877040e+01, v12;
	v12 =	vadd.f32 $-8.802877040e+01, v50;
	v50 =	vld.idx.msk [tilespmem:v0+s31+$0xFFFFFF00 ss:$0x1], $0xffff;
	[tilespmem:$0x1FFB0] =	vst v18;
	v18 =	vimm.f32 $0.0e+00  }
0xb8: {  	v63 =	vadd.f32 $9.735508560e-01, v47;
	v47 =	vld.idx.msk [tilespmem:v0+s31+$0x480 ss:$0x1], $0xffff;
	v14 =	vmul.f32 $6.931471820e-01, v14;
	[tilespmem:$0x1FFC0] =	vst v18;
	v18 =	vimm.f32 $0.0e+00  }
0xb9: {  	v62 =	vadd.f32 $9.735508560e-01, v17;
	v17 =	vmul.f32 v34, v52;
	v52 =	vld.idx.msk [tilespmem:v0+s31+$0xFFFFFF80 ss:$0x1], $0xffff;
	v51 =	vmul.f32 v61, v54;
	[tilespmem:$0x1FFD0] =	vst v18  }
0xba: {  	v61 =	vadd.f32 $-8.802877040e+01, v39;
	v39 =	vmul.f32 $6.931471820e-01, v37;
	v37 =	vld.idx.msk [tilespmem:v0+s31+$0x600 ss:$0x1], $0xffff;
	v18 =	vimm.f32 $0.0e+00;
	[tilespmem:$0x1FF60] =	vst v14  }
0xbb: {  	v5 =	vadd.f32 $-8.802877040e+01, v40;
	v13 =	vadd.f32 $-8.802877040e+01, v13;
	v54 =	vld.idx.msk [tilespmem:v0+s31+$0x0 ss:$0x1], $0xffff;
	[tilespmem:$0x1FFE0] =	vst v18;
	v18 =	vimm.f32 $0.0e+00  }
0xbc: {  	p0 =	por p1, p1;
	s0 =	simm.s32 $0x40;
	v40 =	vmul.f32 $6.931471820e-01, v19;
	v16 =	vadd.f32 $-8.802877040e+01, v48;
	v48 =	vld.idx.msk [tilespmem:v0+s31+$0x100 ss:$0x1], $0xffff;
	v14 =	vadd.f32 $-8.802877040e+01, v38;
	[tilespmem:$0x1FFF0] =	vst v18  }
.LBB2_3:
0xbd: {  	v18 =	vld.idx.msk [tilespmem:v0+s31+$0x180 ss:$0x1], $0xffff  }
0xbe: {  	v20 =	vld [tilespmem:$0x1FE80]  }
0xbf: {  	v21 =	vld.idx.msk [tilespmem:v0+s31+$0xFFFFFC00 ss:$0x1], $0xffff  }
0xc0: {  	v34 =	vld [tilespmem:$0x1FF10]  }
0xc1: {  	v38 =	vld [tilespmem:$0x1FED0]  }
0xc2: {  	v35 =	vld [tilespmem:$0x1FF20]  }
0xc3: {  	v33 =	vmul.f32 v63, v33;
	v63 =	vld.idx.msk [tilespmem:v0+s31+$0xFFFFFA80 ss:$0x1], $0xffff  }
0xc4: {  	v41 =	vmul.f32 v62, v41;
	v62 =	vld.idx.msk [tilespmem:v0+s31+$0xFFFFFB00 ss:$0x1], $0xffff  }
0xc5: {  	v5 =	vadd.f32 v5, v25;
	v25 =	vld [tilespmem:$0x1FEC0]  }
0xc6: {  	v30 =	vadd.f32 v56, v30;
	v56 =	vld.idx.msk [tilespmem:v0+s31+$0xFFFFF980 ss:$0x1], $0xffff  }
0xc7: {  	v26 =	vadd.f32 v59, v22;
	v22 =	vld [tilespmem:$0x1FE90]  }
0xc8: {  	v60 =	vadd.f32 v60, v23;
	v23 =	vld [tilespmem:$0x1FEA0]  }
0xc9: {  	v16 =	vadd.f32 v16, v39;
	v58 =	vadd.f32 v58, v24;
	v24 =	vld [tilespmem:$0x1FEB0]  }
0xca: {  	v3 =	vmul.f32 v3, v31;
	v31 =	vadd.f32 v10, v29;
	v10 =	vmov v36;
	v36 =	vld [tilespmem:$0x1FEF0]  }
0xcb: {  	v16 =	vmul.f32 v16, v53;
	v53 =	vld [tilespmem:$0x1FFA0]  }
0xcc: {  	v2 =	vmul.f32 v2, v32;
	v6 =	vadd.f32 $-8.802877040e+01, v6;
	[tilespmem:$0x1FE20] =	vst v18;
	v18 =	vld.idx.msk [tilespmem:v0+s31+$0x200 ss:$0x1], $0xffff  }
0xcd: {  	v55 =	vadd.f32 $-8.802877040e+01, v55;
	v32 =	vadd.f32 v14, v34;
	v34 =	vmul.f32 $6.931471820e-01, v38;
	v38 =	vld [tilespmem:$0x1FF30]  }
0xce: {  	v57 =	vadd.f32 $-8.802877040e+01, v57;
	v11 =	vadd.f32 v11, v35;
	v35 =	vld.idx.msk [tilespmem:v0+s31+$0xFFFFFA00 ss:$0x1], $0xffff  }
0xcf: {  	v8 =	vadd.f32 $-8.802877040e+01, v8;
	v9 =	vadd.f32 $-8.802877040e+01, v9;
	v14 =	vmov v37;
	v37 =	vld [tilespmem:$0x1FF40]  }
0xd0: {  	v17 =	vadd.f32 $-8.802877040e+01, v17;
	v51 =	vadd.f32 $-8.802877040e+01, v51;
	v29 =	vmul.f32 $6.931471820e-01, v25;
	v25 =	vld.idx.msk [tilespmem:v0+s31+$0xFFFFFE00 ss:$0x1], $0xffff  }
0xd1: {  	v27 =	vadd.f32 v61, v27;
	v4 =	vadd.f32 v4, v28;
	v59 =	vmul.f32 $6.931471820e-01, v22;
	v22 =	vld.idx.msk [tilespmem:v0+s31+$0xFFFFFC80 ss:$0x1], $0xffff  }
0xd2: {  	v13 =	vadd.f32 v13, v40;
	v3 =	vadd.f32 $-8.802877040e+01, v3;
	v61 =	vmul.f32 $6.931471820e-01, v23;
	v23 =	vld.idx.msk [tilespmem:v0+s31+$0xFFFFFD00 ss:$0x1], $0xffff  }
0xd3: {  	v2 =	vadd.f32 $-8.802877040e+01, v2;
	v27 =	vmul.f32 v27, v45;
	v28 =	vmul.f32 $6.931471820e-01, v24;
	v24 =	vld.idx.msk [tilespmem:v0+s31+$0xFFFFFD80 ss:$0x1], $0xffff  }
0xd4: {  	v33 =	vadd.f32 $-8.802877040e+01, v33;
	v4 =	vmul.f32 v4, v47;
	v30 =	vmul.f32 v30, v49;
	[tilespmem:$0x1FE30] =	vst v18;
	v18 =	vld [tilespmem:$0x1FE70]  }
0xd5: {  	v5 =	vmul.f32 v5, v42;
	v20 =	vmul.f32 $6.931471820e-01, v20;
	v12 =	vadd.f32 v12, v37;
	v37 =	vld [tilespmem:$0x1FEE0]  }
0xd6: {  	v10 =	vmul.f32 v31, v10;
	v15 =	vadd.f32 v15, v38;
	v38 =	vld [tilespmem:$0x1FF60];
	v9 =	vadd.f32 v9, v61  }
0xd7: {  	v26 =	vmul.f32 v26, v43;
	v3 =	vadd.f32 v3, v34;
	v12 =	vmul.f32 v12, v54;
	v54 =	vld [tilespmem:$0x1FFB0]  }
0xd8: {  	v41 =	vadd.f32 $-8.802877040e+01, v41;
	v44 =	vmul.f32 v60, v44;
	v9 =	vmul.f32 v9, v21;
	v21 =	vld [tilespmem:$0x1FF80]  }
0xd9: {  	v20 =	vadd.f32 v57, v20;
	v11 =	vmul.f32 v11, v50;
	v3 =	vmul.f32 v3, v24;
	v24 =	vld [tilespmem:$0x1FFE0]  }
0xda: {  	v29 =	vadd.f32 v51, v29;
	v36 =	vmul.f32 $6.931471820e-01, v36;
	v19 =	vmul.f32 $6.931471820e-01, v18;
	v18 =	vld.idx.msk [tilespmem:v0+s31+$0xFFFFFB80 ss:$0x1], $0xffff  }
0xdb: {  	v20 =	vmul.f32 v20, v62;
	v17 =	vadd.f32 v17, v28;
	s31 =	sshra.s32 s0, $0x2;
	v7 =	vadd.f32 v7, v38;
	v38 =	vld [tilespmem:$0x1FF00]  }
0xdc: {  	v28 =	vmul.f32 v58, v46;
	v2 =	vadd.f32 v2, v36;
	v37 =	vmul.f32 $6.931471820e-01, v37;
	v49 =	vld.idx.msk [tilespmem:v1+s31+$0xC00 ss:$0x1], $0xffff  }
0xdd: {  	v8 =	vadd.f32 v8, v59;
	v15 =	vmul.f32 v15, v52;
	v17 =	vmul.f32 v17, v22;
	v22 =	vld.idx.msk [tilespmem:v1+s31+$0x700 ss:$0x1], $0xffff  }
0xde: {  	v2 =	vmul.f32 v2, v25;
	v6 =	vadd.f32 v6, v19;
	v19 =	vld [tilespmem:$0x1FF70];
	v33 =	vadd.f32 v33, v37  }
0xdf: {  	v23 =	vmul.f32 v29, v23;
	v61 =	vld.idx.msk [tilespmem:v1+s31+$0xB80 ss:$0x1], $0xffff;
	v7 =	vmul.f32 v7, v48;
	v9 =	vadd.f32 v9, v54  }
0xe0: {  	v50 =	vld.idx.msk [tilespmem:v1+s31+$0xC80 ss:$0x1], $0xffff;
	v6 =	vmul.f32 v6, v63;
	v29 =	vmul.f32 v33, v56;
	v17 =	vadd.f32 v17, v24  }
0xe1: {  	v9 =	vadd.f32 v12, v9;
	v12 =	vld.idx.msk [tilespmem:v1+s31+$0x800 ss:$0x1], $0xffff;
	v38 =	vmul.f32 $6.931471820e-01, v38;
	v8 =	vmul.f32 v8, v18  }
0xe2: {  	v24 =	vld [tilespmem:$0x1FFF0];
	v6 =	vadd.f32 v6, v21;
	v16 =	vadd.f32 v16, v17;
	v25 =	vmax.f32 v49, $9.999999770e-03  }
0xe3: {  	v51 =	vld.idx.msk [tilespmem:v1+s31+$0x500 ss:$0x1], $0xffff;
	v22 =	vmax.f32 v22, $9.999999770e-03;
	v19 =	vadd.f32 v55, v19;
	v38 =	vadd.f32 v41, v38  }
0xe4: {  	v18 =	vld.idx.msk [tilespmem:v1+s31+$0x600 ss:$0x1], $0xffff;
	v8 =	vadd.f32 v8, v53;
	v25 =	vmin.f32 v25, $9.900000090e-01;
	v22 =	vmin.f32 v22, $9.900000090e-01  }
0xe5: {  	v21 =	vld [tilespmem:$0x1FF90];
	v6 =	vadd.f32 v30, v6;
	v4 =	vadd.f32 v4, v16;
	v16 =	vmax.f32 v61, $9.999999770e-03  }
0xe6: {  	v52 =	vld.idx.msk [tilespmem:v1+s31+$0x580 ss:$0x1], $0xffff;
	v63 =	vshra.s32 v22, $0x17;
	v22 =	vand.u32 $0x7FFFFF, v22;
	v8 =	vadd.f32 v15, v8  }
0xe7: {  	v17 =	vld.idx.msk [tilespmem:v1+s31+$0x300 ss:$0x1], $0xffff;
	v15 =	vmul.f32 v38, v35;
	v23 =	vadd.f32 v23, v24;
	v12 =	vmax.f32 v12, $9.999999770e-03  }
0xe8: {  	v16 =	vmin.f32 v16, $9.900000090e-01;
	v22 =	vor.u32 $0x3F800000, v22;
	v6 =	vadd.f32 v26, v6  }
0xe9: {  	v26 =	vmax.f32 v50, $9.999999770e-03;
	v18 =	vmax.f32 v18, $9.999999770e-03;
	v12 =	vmin.f32 v12, $9.900000090e-01  }
0xea: {  	v58 =	vshra.s32 v16, $0x17;
	v16 =	vand.u32 $0x7FFFFF, v16;
	v20 =	vadd.f32 v20, v21  }
0xeb: {  	v8 =	vadd.f32 v27, v8;
	v7 =	vadd.f32 v7, v23;
	v23 =	vmax.f32 v51, $9.999999770e-03  }
0xec: {  	v40 =	vld.idx.msk [tilespmem:v1+s31+$0x980 ss:$0x1], $0xffff;
	v27 =	vmax.f32 v52, $9.999999770e-03;
	v17 =	vmax.f32 v17, $9.999999770e-03;
	v26 =	vmin.f32 v26, $9.900000090e-01  }
0xed: {  	v55 =	vld.idx.msk [tilespmem:v1+s31+$0xA00 ss:$0x1], $0xffff;
	v18 =	vmin.f32 v18, $9.900000090e-01;
	v61 =	vshra.s32 v12, $0x17;
	v12 =	vand.u32 $0x7FFFFF, v12  }
0xee: {  	v33 =	vcvt.s32.f32 v58;
	v16 =	vor.u32 $0x3F800000, v16;
	v23 =	vmin.f32 v23, $9.900000090e-01  }
0xef: {  	v27 =	vmin.f32 v27, $9.900000090e-01;
	v17 =	vmin.f32 v17, $9.900000090e-01;
	v35 =	vshra.s32 v26, $0x17  }
0xf0: {  	v38 =	vshra.s32 v18, $0x17;
	v26 =	vand.u32 $0x7FFFFF, v26;
	v18 =	vand.u32 $0x7FFFFF, v18  }
0xf1: {  	v12 =	vor.u32 $0x3F800000, v12;
	v11 =	vadd.f32 v11, v20;
	[tilespmem:$0x1FFA0] =	vst v8;
	v8 =	vadd.f32 v28, v9  }
0xf2: {  	v24 =	vld [tilespmem:$0x1FE20];
	[tilespmem:$0x1FFE0] =	vst v4;
	v4 =	vadd.f32 v5, v7;
	v5 =	vmax.f32 v40, $9.999999770e-03;
	v7 =	vmax.f32 v55, $9.999999770e-03  }
0xf3: {  	v36 =	vshra.s32 v23, $0x17;
	v37 =	vshra.s32 v27, $0x17;
	v48 =	vshra.s32 v17, $0x17  }
0xf4: {  	v23 =	vand.u32 $0x7FFFFF, v23;
	v27 =	vand.u32 $0x7FFFFF, v27;
	v35 =	vcvt.s32.f32 v35  }
0xf5: {  	v21 =	vld.idx.msk [tilespmem:v1+s31+$0x680 ss:$0x1], $0xffff;
	v38 =	vcvt.s32.f32 v38;
	v40 =	vcvt.s32.f32 v63;
	v17 =	vand.u32 $0x7FFFFF, v17  }
0xf6: {  	v20 =	vld.idx.msk [tilespmem:v1+s31+$0x780 ss:$0x1], $0xffff;
	v26 =	vor.u32 $0x3F800000, v26;
	v18 =	vor.u32 $0x3F800000, v18;
	v55 =	vadd.f32 $-1.000000000e+00, v22  }
0xf7: {  	v9 =	vld [tilespmem:$0x1FFC0];
	v13 =	vmul.f32 v13, v24;
	v5 =	vmin.f32 v5, $9.900000090e-01;
	v7 =	vmin.f32 v7, $9.900000090e-01  }
0xf8: {  	v37 =	vcvt.s32.f32 v37;
	v23 =	vor.u32 $0x3F800000, v23;
	v27 =	vor.u32 $0x3F800000, v27  }
0xf9: {  	[tilespmem:$0x1FF80] =	vst v6;
	v24 =	vld.idx.msk [tilespmem:v1+s31+$0x200 ss:$0x1], $0xffff;
	v17 =	vor.u32 $0x3F800000, v17;
	v6 =	vadd.f32 v44, v11;
	v30 =	vshra.s32 v7, $0x17  }
0xfa: {  	[tilespmem:$0x1FFB0] =	vst v8;
	v8 =	vld.idx.msk [tilespmem:v1+s31+$0x100 ss:$0x1], $0xffff;
	v7 =	vand.u32 $0x7FFFFF, v7;
	v34 =	vadd.f32 $-1.000000000e+00, v27;
	v21 =	vmax.f32 v21, $9.999999770e-03  }
0xfb: {  	v11 =	vld [tilespmem:$0x1FFD0];
	v30 =	vcvt.s32.f32 v30;
	v7 =	vor.u32 $0x3F800000, v7;
	v21 =	vmin.f32 v21, $9.900000090e-01  }
0xfc: {  	[tilespmem:$0x1FFF0] =	vst v4;
	v4 =	vld.idx.msk [tilespmem:v1+s31+$0x400 ss:$0x1], $0xffff;
	v9 =	vadd.f32 v29, v9;
	v20 =	vmax.f32 v20, $9.999999770e-03;
	v29 =	vshra.s32 v5, $0x17  }
0xfd: {  	[tilespmem:$0x1FF90] =	vst v6;
	v6 =	vld.idx.msk [tilespmem:v1+s31+$0x880 ss:$0x1], $0xffff;
	v62 =	vshra.s32 v21, $0x17;
	v5 =	vand.u32 $0x7FFFFF, v5;
	v21 =	vand.u32 $0x7FFFFF, v21  }
0xfe: {  	v27 =	vmul.f32 $6.931471820e-01, v30;
	v24 =	vmax.f32 v24, $9.999999770e-03;
	v20 =	vmin.f32 v20, $9.900000090e-01  }
0xff: {  	v29 =	vcvt.s32.f32 v29;
	v5 =	vor.u32 $0x3F800000, v5;
	v21 =	vor.u32 $0x3F800000, v21  }
0x100: {  	v11 =	vadd.f32 v15, v11;
	v3 =	vadd.f32 v3, v9;
	v8 =	vmax.f32 v8, $9.999999770e-03  }
0x101: {  	v59 =	vld.idx.msk [tilespmem:v1+s31+$0xA80 ss:$0x1], $0xffff;
	v4 =	vmax.f32 v4, $9.999999770e-03;
	v24 =	vmin.f32 v24, $9.900000090e-01;
	v8 =	vmin.f32 v8, $9.900000090e-01  }
0x102: {  	v4 =	vmin.f32 v4, $9.900000090e-01;
	v46 =	vshra.s32 v24, $0x17;
	v24 =	vand.u32 $0x7FFFFF, v24  }
0x103: {  	v9 =	vld [tilespmem:$0x1FE30];
	v2 =	vadd.f32 v2, v11;
	v3 =	vadd.f32 v13, v3;
	v6 =	vmax.f32 v6, $9.999999770e-03  }
0x104: {  	v15 =	vld.idx.msk [tilespmem:v1+s31+$0x180 ss:$0x1], $0xffff;
	v42 =	vshra.s32 v8, $0x17;
	v50 =	vshra.s32 v4, $0x17;
	v8 =	vand.u32 $0x7FFFFF, v8  }
0x105: {  	v4 =	vand.u32 $0x7FFFFF, v4;
	v24 =	vor.u32 $0x3F800000, v24;
	v6 =	vmin.f32 v6, $9.900000090e-01  }
0x106: {  	v39 =	vld.idx.msk [tilespmem:v1+s31+$0x900 ss:$0x1], $0xffff;
	v8 =	vor.u32 $0x3F800000, v8;
	v3 =	vadd.f32 v10, v3;
	v10 =	vmax.f32 v59, $9.999999770e-03  }
0x107: {  	v59 =	vshra.s32 v25, $0x17;
	v44 =	vshra.s32 v6, $0x17;
	v25 =	vand.u32 $0x7FFFFF, v25  }
0x108: {  	v60 =	vld.idx.msk [tilespmem:v1+s31+$0xB00 ss:$0x1], $0xffff;
	v6 =	vand.u32 $0x7FFFFF, v6;
	v58 =	vadd.f32 $-1.000000000e+00, v8;
	v9 =	vmul.f32 v19, v9  }
0x109: {  	v11 =	vld.idx.msk [tilespmem:v1+s31+$0x280 ss:$0x1], $0xffff;
	v15 =	vmax.f32 v15, $9.999999770e-03;
	v10 =	vmin.f32 v10, $9.900000090e-01;
	v56 =	vcvt.s32.f32 v59  }
0x10a: {  	v13 =	vld.idx.msk [tilespmem:v1+s31+$0x380 ss:$0x1], $0xffff;
	v63 =	vcvt.s32.f32 v44;
	v25 =	vor.u32 $0x3F800000, v25;
	v6 =	vor.u32 $0x3F800000, v6  }
0x10b: {  	v44 =	vadd.f32 $-1.000000000e+00, v5;
	[tilespmem:$0x1FFC0] =	vst v3;
	v3 =	vmax.f32 v39, $9.999999770e-03;
	v15 =	vmin.f32 v15, $9.900000090e-01  }
0x10c: {  	v31 =	vshra.s32 v10, $0x17;
	v10 =	vand.u32 $0x7FFFFF, v10;
	v39 =	vcvt.s32.f32 v62  }
0x10d: {  	v62 =	vcvt.s32.f32 v61;
	v61 =	vadd.f32 $-1.000000000e+00, v6;
	v2 =	vadd.f32 v9, v2  }
0x10e: {  	v9 =	vmul.f32 v32, v14;
	v14 =	vmax.f32 v60, $9.999999770e-03;
	v11 =	vmax.f32 v11, $9.999999770e-03  }
0x10f: {  	v13 =	vmax.f32 v13, $9.999999770e-03;
	v3 =	vmin.f32 v3, $9.900000090e-01;
	v60 =	vshra.s32 v20, $0x17  }
0x110: {  	v45 =	vshra.s32 v15, $0x17;
	v20 =	vand.u32 $0x7FFFFF, v20;
	v31 =	vcvt.s32.f32 v31  }
0x111: {  	v15 =	vand.u32 $0x7FFFFF, v15;
	v10 =	vor.u32 $0x3F800000, v10;
	v6 =	vmul.f32 $6.931471820e-01, v63  }
0x112: {  	v19 =	vld.idx.msk [tilespmem:v1+s31+$0x80 ss:$0x1], $0xffff;
	v14 =	vmin.f32 v14, $9.900000090e-01;
	v11 =	vmin.f32 v11, $9.900000090e-01;
	v13 =	vmin.f32 v13, $9.900000090e-01  }
0x113: {  	v41 =	vcvt.s32.f32 v60;
	v20 =	vor.u32 $0x3F800000, v20;
	v15 =	vor.u32 $0x3F800000, v15  }
0x114: {  	v60 =	vadd.f32 $-1.000000000e+00, v12;
	v2 =	vadd.f32 v9, v2;
	v57 =	vshra.s32 v14, $0x17  }
0x115: {  	v47 =	vshra.s32 v11, $0x17;
	v49 =	vshra.s32 v13, $0x17;
	v14 =	vand.u32 $0x7FFFFF, v14  }
0x116: {  	v11 =	vand.u32 $0x7FFFFF, v11;
	v13 =	vand.u32 $0x7FFFFF, v13;
	v59 =	vadd.f32 $-1.000000000e+00, v20  }
0x117: {  	v19 =	vmax.f32 v19, $9.999999770e-03;
	v32 =	vcvt.s32.f32 v57;
	v57 =	vcvt.s32.f32 v36  }
0x118: {  	v14 =	vor.u32 $0x3F800000, v14;
	v11 =	vor.u32 $0x3F800000, v11;
	v13 =	vor.u32 $0x3F800000, v13  }
0x119: {  	v36 =	vadd.f32 $-1.000000000e+00, v26;
	v26 =	vmul.f32 $6.931471820e-01, v33;
	v28 =	vmin.f32 v19, $9.900000090e-01  }
0x11a: {  	v9 =	vld.idx.msk [tilespmem:v1+s31+$0x0 ss:$0x1], $0xffff;
	v19 =	vshra.s32 v3, $0x17;
	v3 =	vand.u32 $0x7FFFFF, v3;
	v52 =	vshra.s32 v28, $0x17  }
0x11b: {  	v54 =	vcvt.s32.f32 v19;
	v19 =	vcvt.s32.f32 v42;
	v28 =	vand.u32 $0x7FFFFF, v28  }
0x11c: {  	[tilespmem:$0x1FFD0] =	vst v2;
	v2 =	vld.idx.msk [tilespmem:v1+s31+$0x480 ss:$0x1], $0xffff;
	v3 =	vor.u32 $0x3F800000, v3;
	v42 =	vadd.f32 $-1.000000000e+00, v23;
	v30 =	vmul.f32 $6.931471820e-01, v57  }
0x11d: {  	v57 =	vadd.f32 $-1.000000000e+00, v15;
	v15 =	vmul.f32 $1.125501470e-01, v34;
	v43 =	vadd.f32 $-1.000000000e+00, v3  }
0x11e: {  	v3 =	vor.u32 $0x3F800000, v4;
	v5 =	vor.u32 $0x3F800000, v28;
	v28 =	vmul.f32 $6.931471820e-01, v32  }
0x11f: {  	v9 =	vmax.f32 v9, $9.999999770e-03;
	[tilespmem:$0x1FE70] =	vst v19;
	v19 =	vcvt.s32.f32 v45;
	v45 =	vadd.f32 $-1.000000000e+00, v10  }
0x120: {  	v20 =	vmul.f32 $1.125501470e-01, v57;
	v15 =	vadd.f32 $-3.921667340e-01, v15;
	v9 =	vmin.f32 v9, $9.900000090e-01  }
0x121: {  	[tilespmem:$0x1FF70] =	vst v6;
	v6 =	vmul.f32 $1.125501470e-01, v43;
	v2 =	vmax.f32 v2, $9.999999770e-03;
	v51 =	vshra.s32 v9, $0x17  }
0x122: {  	[tilespmem:$0x1FE80] =	vst v19;
	v19 =	vcvt.s32.f32 v46;
	v9 =	vand.u32 $0x7FFFFF, v9;
	v46 =	vadd.f32 $-1.000000000e+00, v16  }
0x123: {  	v20 =	vadd.f32 $-3.921667340e-01, v20;
	v15 =	vmul.f32 v15, v34;
	v2 =	vmin.f32 v2, $9.900000090e-01  }
0x124: {  	v4 =	vor.u32 $0x3F800000, v9;
	v9 =	vmul.f32 $1.125501470e-01, v45;
	v6 =	vadd.f32 $-3.921667340e-01, v6  }
0x125: {  	v53 =	vshra.s32 v2, $0x17;
	[tilespmem:$0x1FE90] =	vst v19;
	v19 =	vcvt.s32.f32 v47;
	v2 =	vand.u32 $0x7FFFFF, v2  }
0x126: {  	v47 =	vadd.f32 $-1.000000000e+00, v25;
	v33 =	vadd.f32 $-1.000000000e+00, v4;
	v4 =	vmul.f32 $1.125501470e-01, v60  }
0x127: {  	v20 =	vmul.f32 v20, v57;
	v15 =	vadd.f32 $9.735508560e-01, v15;
	v2 =	vor.u32 $0x3F800000, v2  }
0x128: {  	v9 =	vadd.f32 $-3.921667340e-01, v9;
	v6 =	vmul.f32 v6, v43;
	[tilespmem:$0x1FEA0] =	vst v19;
	v19 =	vcvt.s32.f32 v48  }
0x129: {  	v48 =	vadd.f32 $-1.000000000e+00, v18;
	v12 =	vmul.f32 $1.125501470e-01, v47;
	v32 =	vadd.f32 $-1.000000000e+00, v2  }
0x12a: {  	v2 =	vmul.f32 $1.125501470e-01, v55;
	v18 =	vmul.f32 $1.125501470e-01, v61;
	v4 =	vadd.f32 $-3.921667340e-01, v4  }
0x12b: {  	v15 =	vmul.f32 v15, v34;
	v9 =	vmul.f32 v9, v45;
	v6 =	vadd.f32 $9.735508560e-01, v6  }
0x12c: {  	[tilespmem:$0x1FEB0] =	vst v19;
	v19 =	vcvt.s32.f32 v49;
	v49 =	vadd.f32 $-1.000000000e+00, v21;
	v12 =	vadd.f32 $-3.921667340e-01, v12  }
0x12d: {  	v2 =	vadd.f32 $-3.921667340e-01, v2;
	v18 =	vadd.f32 $-3.921667340e-01, v18;
	v4 =	vmul.f32 v4, v60  }
0x12e: {  	v9 =	vadd.f32 $9.735508560e-01, v9;
	v6 =	vmul.f32 v6, v43;
	[tilespmem:$0x1FEC0] =	vst v19;
	v19 =	vcvt.s32.f32 v50  }
0x12f: {  	v50 =	vadd.f32 $-1.000000000e+00, v14;
	v14 =	vmul.f32 $1.125501470e-01, v36;
	v16 =	vmul.f32 $1.125501470e-01, v49  }
0x130: {  	v20 =	vadd.f32 $9.735508560e-01, v20;
	v12 =	vmul.f32 v12, v47;
	v2 =	vmul.f32 v2, v55  }
0x131: {  	v18 =	vmul.f32 v18, v61;
	v4 =	vadd.f32 $9.735508560e-01, v4;
	v9 =	vmul.f32 v9, v45  }
0x132: {  	[tilespmem:$0x1FED0] =	vst v19;
	v19 =	vcvt.s32.f32 v51;
	v10 =	vmul.f32 $1.125501470e-01, v50;
	v51 =	vadd.f32 $-1.000000000e+00, v13  }
0x133: {  	v13 =	vmul.f32 $1.125501470e-01, v42;
	v14 =	vadd.f32 $-3.921667340e-01, v14;
	v16 =	vadd.f32 $-3.921667340e-01, v16  }
0x134: {  	v12 =	vadd.f32 $9.735508560e-01, v12;
	v18 =	vadd.f32 $9.735508560e-01, v18;
	[tilespmem:$0x1FEE0] =	vst v19;
	v19 =	vcvt.s32.f32 v53  }
0x135: {  	v53 =	vadd.f32 $-1.000000000e+00, v17;
	v17 =	vmul.f32 $1.125501470e-01, v59;
	v10 =	vadd.f32 $-3.921667340e-01, v10  }
0x136: {  	v13 =	vadd.f32 $-3.921667340e-01, v13;
	v14 =	vmul.f32 v14, v36;
	v16 =	vmul.f32 v16, v49  }
0x137: {  	v12 =	vmul.f32 v12, v47;
	[tilespmem:$0x1FEF0] =	vst v19;
	v19 =	vcvt.s32.f32 v52;
	v52 =	vadd.f32 $-1.000000000e+00, v7  }
0x138: {  	v7 =	vmul.f32 $6.931471820e-01, v54;
	v54 =	vadd.f32 $-1.000000000e+00, v11;
	v11 =	vmul.f32 $1.125501470e-01, v46  }
0x139: {  	v23 =	vmul.f32 $1.125501470e-01, v53;
	v17 =	vadd.f32 $-3.921667340e-01, v17;
	v10 =	vmul.f32 v10, v50  }
0x13a: {  	v13 =	vmul.f32 v13, v42;
	v14 =	vadd.f32 $9.735508560e-01, v14;
	v16 =	vadd.f32 $9.735508560e-01, v16  }
0x13b: {  	[tilespmem:$0x1FE40] =	vst v7;
	v7 =	vmul.f32 $6.931471820e-01, v29;
	v29 =	vmul.f32 $6.931471820e-01, v56;
	v56 =	vadd.f32 $-1.000000000e+00, v24  }
0x13c: {  	v8 =	vmul.f32 $1.125501470e-01, v52;
	v22 =	vmul.f32 $1.125501470e-01, v54;
	v11 =	vadd.f32 $-3.921667340e-01, v11  }
0x13d: {  	v24 =	vmul.f32 $1.125501470e-01, v51;
	v23 =	vadd.f32 $-3.921667340e-01, v23;
	v17 =	vmul.f32 v17, v59  }
0x13e: {  	[tilespmem:$0x1FF00] =	vst v19;
	v10 =	vadd.f32 $9.735508560e-01, v10;
	v13 =	vadd.f32 $9.735508560e-01, v13;
	v14 =	vmul.f32 v14, v36  }
0x13f: {  	v19 =	vadd.f32 $9.735508560e-01, v2;
	v16 =	vmul.f32 v16, v49;
	[tilespmem:$0x1FE50] =	vst v7;
	v7 =	vmul.f32 $6.931471820e-01, v31  }
0x140: {  	v31 =	vadd.f32 $-1.000000000e+00, v3;
	v3 =	vmul.f32 $1.125501470e-01, v48;
	v21 =	vmul.f32 $1.125501470e-01, v56  }
0x141: {  	v8 =	vadd.f32 $-3.921667340e-01, v8;
	v22 =	vadd.f32 $-3.921667340e-01, v22;
	v11 =	vmul.f32 v11, v46  }
0x142: {  	v24 =	vadd.f32 $-3.921667340e-01, v24;
	v23 =	vmul.f32 v23, v53;
	v10 =	vmul.f32 v10, v50  }
0x143: {  	v17 =	vadd.f32 $9.735508560e-01, v17;
	v13 =	vmul.f32 v13, v42;
	v19 =	vmul.f32 v19, v55  }
0x144: {  	v55 =	vmul.f32 v18, v61;
	v14 =	vadd.f32 $-8.802877040e+01, v14;
	[tilespmem:$0x1FE60] =	vst v7;
	v7 =	vmul.f32 $6.931471820e-01, v35  }
0x145: {  	v25 =	vmul.f32 $1.125501470e-01, v31;
	v35 =	vmul.f32 $1.125501470e-01, v32;
	v3 =	vadd.f32 $-3.921667340e-01, v3  }
0x146: {  	v21 =	vadd.f32 $-3.921667340e-01, v21;
	v8 =	vmul.f32 v8, v52;
	v22 =	vmul.f32 v22, v54  }
0x147: {  	v11 =	vadd.f32 $9.735508560e-01, v11;
	v24 =	vmul.f32 v24, v51;
	v23 =	vadd.f32 $9.735508560e-01, v23  }
0x148: {  	v34 =	vmul.f32 v17, v59;
	[tilespmem:$0x1FF10] =	vst v7;
	v7 =	vmul.f32 $6.931471820e-01, v37;
	v25 =	vadd.f32 $-3.921667340e-01, v25  }
0x149: {  	v3 =	vmul.f32 v3, v48;
	v35 =	vadd.f32 $-3.921667340e-01, v35;
	v21 =	vmul.f32 v21, v56  }
0x14a: {  	v43 =	vld.idx.msk [tilespmem:v0+s31+$0x280 ss:$0x1], $0xffff;
	v8 =	vadd.f32 $9.735508560e-01, v8;
	v11 =	vmul.f32 v11, v46;
	v17 =	vmul.f32 v23, v53  }
0x14b: {  	v45 =	vld.idx.msk [tilespmem:v0+s31+$0x380 ss:$0x1], $0xffff;
	v59 =	vadd.f32 $-8.802877040e+01, v6;
	[tilespmem:$0x1FF20] =	vst v7;
	v7 =	vmul.f32 $6.931471820e-01, v38;
	v25 =	vmul.f32 v25, v31  }
0x14c: {  	v47 =	vld.idx.msk [tilespmem:v0+s31+$0x480 ss:$0x1], $0xffff;
	v22 =	vadd.f32 $9.735508560e-01, v22;
	v35 =	vmul.f32 v35, v32;
	v8 =	vmul.f32 v8, v52  }
0x14d: {  	v36 =	vld.idx.msk [tilespmem:v0+s31+$0x580 ss:$0x1], $0xffff;
	v24 =	vadd.f32 $9.735508560e-01, v24;
	[tilespmem:$0x1FF30] =	vst v7;
	v7 =	vmul.f32 $6.931471820e-01, v39;
	v39 =	vmul.f32 $6.931471820e-01, v40  }
0x14e: {  	v21 =	vadd.f32 $9.735508560e-01, v21;
	v40 =	vmul.f32 $6.931471820e-01, v62;
	v62 =	vmul.f32 $1.125501470e-01, v33  }
0x14f: {  	v49 =	vld.idx.msk [tilespmem:v0+s31+$0xFFFFFE80 ss:$0x1], $0xffff;
	v2 =	vadd.f32 $9.735508560e-01, v35;
	v35 =	vmul.f32 v4, v60;
	v61 =	vadd.f32 $-8.802877040e+01, v8  }
0x150: {  	v42 =	vld.idx.msk [tilespmem:v0+s31+$0x500 ss:$0x1], $0xffff;
	v4 =	vadd.f32 $-8.802877040e+01, v10;
	v10 =	vadd.f32 $-8.802877040e+01, v12;
	[tilespmem:$0x1FF40] =	vst v7;
	v7 =	vmul.f32 $6.931471820e-01, v41  }
0x151: {  	v50 =	vld.idx.msk [tilespmem:v0+s31+$0xFFFFFF00 ss:$0x1], $0xffff;
	v8 =	vmul.f32 v21, v56;
	v41 =	vadd.f32 $-1.000000000e+00, v5;
	v5 =	vmul.f32 $1.125501470e-01, v58  }
0x152: {  	v46 =	vld.idx.msk [tilespmem:v0+s31+$0x400 ss:$0x1], $0xffff;
	v56 =	vadd.f32 $-8.802877040e+01, v13;
	v12 =	vadd.f32 $-8.802877040e+01, v16;
	[tilespmem:$0x1FF60] =	vst v7;
	v7 =	vmul.f32 $1.125501470e-01, v44  }
0x153: {  	v16 =	vadd.f32 $-8.802877040e+01, v19;
	v63 =	vmul.f32 $1.125501470e-01, v41;
	v5 =	vadd.f32 $-3.921667340e-01, v5  }
0x154: {  	v23 =	vld [tilespmem:$0x1FE50];
	v51 =	vmul.f32 v24, v51;
	v37 =	vadd.f32 $-3.921667340e-01, v62;
	v7 =	vadd.f32 $-3.921667340e-01, v7  }
0x155: {  	v53 =	vld.idx.msk [tilespmem:v0+s31+$0x80 ss:$0x1], $0xffff;
	v62 =	vadd.f32 $9.735508560e-01, v3;
	v38 =	vadd.f32 $-3.921667340e-01, v63;
	v5 =	vmul.f32 v5, v58  }
0x156: {  	v52 =	vld.idx.msk [tilespmem:v0+s31+$0xFFFFFF80 ss:$0x1], $0xffff;
	v3 =	vadd.f32 $9.735508560e-01, v25;
	v37 =	vmul.f32 v37, v33;
	v7 =	vmul.f32 v7, v44  }
0x157: {  	p1 =	sne.s32 s0, $0x1C0;
	v24 =	vld [tilespmem:$0x1FE60];
	v13 =	vadd.f32 $-8.802877040e+01, v35;
	v38 =	vmul.f32 v38, v41;
	v5 =	vadd.f32 $9.735508560e-01, v5  }
.Ltmp0:
0x158: {  	v25 =	vmul.f32 v62, v48;
	v48 =	vld.idx.msk [tilespmem:v0+s31+$0x100 ss:$0x1], $0xffff;
	v63 =	vadd.f32 $9.735508560e-01, v37;
	v7 =	vadd.f32 $9.735508560e-01, v7;
	(pc) =	sbr.rel @p1 .LBB2_3-.Ltmp0, $4  }
0x159: {  	v37 =	vld.idx.msk [tilespmem:v0+s31+$0x600 ss:$0x1], $0xffff;
	v62 =	vadd.f32 $9.735508560e-01, v38;
	v6 =	vmul.f32 v5, v58;
	v58 =	vadd.f32 $-8.802877040e+01, v9  }
0x15a: {  	v5 =	vadd.f32 $-8.802877040e+01, v11;
	v9 =	vmul.f32 v22, v54;
	v22 =	vld [tilespmem:$0x1FE40];
	v7 =	vmul.f32 v7, v44  }
0x15b: {  	v11 =	vadd.f32 $-8.802877040e+01, v15;
	v15 =	vadd.f32 $-8.802877040e+01, v25;
	v54 =	vld.idx.msk [tilespmem:v0+s31+$0x0 ss:$0x1], $0xffff  }
0x15c: {  	s0 =	sadd.s32 $0x40, s0;
	v57 =	vmul.f32 v20, v57;
	v25 =	vmovc v26;
	v44 =	vld.idx.msk [tilespmem:v0+s31+$0x300 ss:$0x1], $0xffff;
	v60 =	vadd.f32 $-8.802877040e+01, v7;
	v7 =	vadd.f32 $-8.802877040e+01, v34  }
0x15d: {  	v19 =	vadd.f32 v61, v27;
	v27 =	vld [tilespmem:$0x1FF10]  }
0x15e: {  	v4 =	vadd.f32 v4, v28;
	v28 =	vld [tilespmem:$0x1FF20]  }
0x15f: {  	v10 =	vadd.f32 v10, v29;
	v29 =	vld [tilespmem:$0x1FF30]  }
0x160: {  	v21 =	vadd.f32 v56, v30;
	v30 =	vld [tilespmem:$0x1FF40]  }
0x161: {  	v2 =	vmul.f32 v2, v32;
	v32 =	vld [tilespmem:$0x1FE70]  }
0x162: {  	v35 =	vld [tilespmem:$0x1FF60]  }
0x163: {  	v38 =	vld [tilespmem:$0x1FF70]  }
0x164: {  	v26 =	vld [tilespmem:$0x1FE80]  }
0x165: {  	v13 =	vadd.f32 v13, v40;
	v40 =	vld [tilespmem:$0x1FE90]  }
0x166: {  	v5 =	vadd.f32 v5, v25;
	v25 =	vmul.f32 v62, v41;
	v41 =	vld [tilespmem:$0x1FEA0]  }
0x167: {  	v3 =	vmul.f32 v3, v31;
	v31 =	vadd.f32 $-8.802877040e+01, v55;
	v55 =	vld [tilespmem:$0x1FEB0]  }
0x168: {  	v56 =	vld.idx.msk [tilespmem:v0+s31+$0xFFFFFA80 ss:$0x1], $0xffff  }
0x169: {  	v20 =	vadd.f32 v58, v24;
	v16 =	vadd.f32 v16, v39;
	v58 =	vld [tilespmem:$0x1FEC0]  }
0x16a: {  	v6 =	vadd.f32 $-8.802877040e+01, v6;
	v8 =	vadd.f32 $-8.802877040e+01, v8;
	v61 =	vld.idx.msk [tilespmem:v0+s31+$0xFFFFFB80 ss:$0x1], $0xffff  }
0x16b: {  	v9 =	vadd.f32 $-8.802877040e+01, v9;
	v17 =	vadd.f32 $-8.802877040e+01, v17;
	v62 =	vld [tilespmem:$0x1FEF0]  }
0x16c: {  	v34 =	vmul.f32 v63, v33;
	v63 =	vld.idx.msk [tilespmem:v0+s31+$0xFFFFFC00 ss:$0x1], $0xffff;
	v18 =	vadd.f32 v60, v23;
	v39 =	vadd.f32 $-8.802877040e+01, v57  }
0x16d: {  	v57 =	vadd.f32 $-8.802877040e+01, v51;
	v60 =	vld [tilespmem:$0x1FED0];
	v1 =	vadd.f32 v59, v22  }
0x16e: {  	v19 =	vmul.f32 v19, v45;
	v20 =	vmul.f32 v20, v46;
	v59 =	vld.idx.msk [tilespmem:v0+s31+$0xFFFFFB00 ss:$0x1], $0xffff;
	v3 =	vadd.f32 $-8.802877040e+01, v3  }
0x16f: {  	v4 =	vmul.f32 v4, v47;
	v2 =	vadd.f32 $-8.802877040e+01, v2;
	v24 =	vadd.f32 $-8.802877040e+01, v34;
	v34 =	vld [tilespmem:$0x1FF00]  }
0x170: {  	v21 =	vmul.f32 v21, v49;
	v16 =	vmul.f32 v16, v53;
	v25 =	vadd.f32 $-8.802877040e+01, v25;
	v45 =	vld.idx.msk [tilespmem:v0+s31+$0xFFFFFD80 ss:$0x1], $0xffff  }
0x171: {  	v46 =	vld [tilespmem:$0x1FF90];
	v5 =	vmul.f32 v5, v42;
	v1 =	vmul.f32 v1, v43;
	v14 =	vadd.f32 v14, v27  }
0x172: {  	v47 =	vld [tilespmem:$0x1FFA0];
	v18 =	vmul.f32 v18, v44;
	v11 =	vadd.f32 v11, v28;
	v15 =	vadd.f32 v15, v29  }
0x173: {  	v49 =	vld [tilespmem:$0x1FFB0];
	v12 =	vadd.f32 v12, v30;
	v23 =	vmul.f32 $6.931471820e-01, v32;
	v26 =	vmul.f32 $6.931471820e-01, v26  }
0x174: {  	v43 =	vld.idx.msk [tilespmem:v0+s31+$0xFFFFFA00 ss:$0x1], $0xffff;
	v7 =	vadd.f32 v7, v35;
	v27 =	vmul.f32 $6.931471820e-01, v40;
	v28 =	vmul.f32 $6.931471820e-01, v41  }
0x175: {  	v44 =	vld [tilespmem:$0x1FF80];
	v22 =	vadd.f32 v31, v38;
	v31 =	vmul.f32 $6.931471820e-01, v62;
	v30 =	vmul.f32 $6.931471820e-01, v60  }
0x176: {  	v38 =	vld.idx.msk [tilespmem:v0+s31+$0xFFFFFC80 ss:$0x1], $0xffff;
	v6 =	vadd.f32 v6, v23;
	v23 =	vadd.f32 v39, v26;
	v26 =	vmul.f32 $6.931471820e-01, v55  }
0x177: {  	v40 =	vld [tilespmem:$0x1FEE0];
	v8 =	vadd.f32 v8, v27;
	v9 =	vadd.f32 v9, v28;
	v28 =	vmul.f32 $6.931471820e-01, v58  }
0x178: {  	v41 =	vld.idx.msk [tilespmem:v0+s31+$0xFFFFF980 ss:$0x1], $0xffff;
	v11 =	vmul.f32 v11, v50;
	v15 =	vmul.f32 v15, v52;
	v2 =	vadd.f32 v2, v31  }
0x179: {  	v39 =	vld.idx.msk [tilespmem:v0+s31+$0xFFFFFD00 ss:$0x1], $0xffff;
	v34 =	vmul.f32 $6.931471820e-01, v34;
	v7 =	vmul.f32 v7, v48;
	v3 =	vadd.f32 v3, v30  }
0x17a: {  	v48 =	vld.idx.msk [tilespmem:v0+s31+$0xFFFFFE00 ss:$0x1], $0xffff;
	v17 =	vadd.f32 v17, v26;
	v27 =	vadd.f32 v57, v28;
	v6 =	vmul.f32 v6, v56  }
0x17b: {  	v50 =	vld.idx.msk [tilespmem:v0+s31+$0x180 ss:$0x1], $0xffff;
	v23 =	vmul.f32 v23, v59;
	v8 =	vmul.f32 v8, v61;
	v25 =	vadd.f32 v25, v34  }
0x17c: {  	v9 =	vmul.f32 v9, v63;
	v56 =	vld [tilespmem:$0x1FFD0];
	v33 =	vmul.f32 $6.931471820e-01, v40;
	v6 =	vadd.f32 v6, v44  }
0x17d: {  	v12 =	vmul.f32 v12, v54;
	v52 =	vld.idx.msk [tilespmem:v0+s31+$0x200 ss:$0x1], $0xffff;
	v23 =	vadd.f32 v23, v46;
	v8 =	vadd.f32 v8, v47  }
0x17e: {  	v55 =	vld [tilespmem:$0x1FFC0];
	v3 =	vmul.f32 v3, v45;
	v9 =	vadd.f32 v9, v49;
	v24 =	vadd.f32 v24, v33  }
0x17f: {  	v58 =	vld [tilespmem:$0x1FFF0];
	v53 =	vmul.f32 v25, v43;
	v6 =	vadd.f32 v21, v6;
	v11 =	vadd.f32 v11, v23  }
0x180: {  	v57 =	vld [tilespmem:$0x1FFE0];
	v27 =	vmul.f32 v27, v39;
	v8 =	vadd.f32 v15, v8;
	v9 =	vadd.f32 v12, v9  }
0x181: {  	v51 =	vmul.f32 v24, v41;
	v12 =	vadd.f32 v53, v56;
	v1 =	vadd.f32 v1, v6  }
0x182: {  	v2 =	vmul.f32 v2, v48;
	v54 =	vadd.f32 v18, v11;
	v8 =	vadd.f32 v19, v8  }
0x183: {  	v17 =	vmul.f32 v17, v38;
	v9 =	vadd.f32 v20, v9;
	v11 =	vadd.f32 v51, v55  }
0x184: {  	v0 =	vmul.f32 v22, v52;
	v2 =	vadd.f32 v2, v12;
	v12 =	vadd.f32 v27, v58  }
0x185: {  	v13 =	vmul.f32 v13, v50;
	v3 =	vadd.f32 v3, v11;
	v11 =	vadd.f32 v17, v57  }
0x186: {  	v59 =	vmul.f32 v14, v37;
	v0 =	vadd.f32 v0, v2;
	v7 =	vadd.f32 v7, v12  }
0x187: {  	v10 =	vmul.f32 v10, v36;
	v3 =	vadd.f32 v13, v3;
	v11 =	vadd.f32 v16, v11  }
0x188: {  	v0 =	vadd.f32 v59, v0;
	v61 =	vadd.f32 v5, v7  }
0x189: {  	v3 =	vadd.f32 v10, v3;
	v60 =	vadd.f32 v4, v11  }
0x18a: {  	v1 =	vadd.f32 v54, v1;
	v62 =	vadd.f32 v9, v8  }
0x18b: {  	v0 =	vadd.f32 v0, v3;
	v2 =	vadd.f32 v61, v60;
	_ =	sdelay $0x1  }
0x18c: {  	v0 =	vadd.f32 v1, v0;
	v63 =	vadd.f32 v2, v62;
	_ =	sdelay $0x1  }
0x18d: {  	v0 =	vadd.f32 v63, v0  }
0x18e: {  	s0 =	sshll.u32 s30, $0x9  }
.Ltmp1:
0x18f: {  	s0 =	sadd.s32 s0, s11;
	[tilespmem:$0x4000] =	vst v0;
	(pc) =	sbr.rel @p0 .LBB2_2-.Ltmp1, $4  }
0x190: {  	[hbm4b:s0+s2] =	stream.linear.scatter [tilespmem:s26], [sflag:$0x5], $0x80, $0x38;
	[tilespmem:$0x4080] =	vst v63  }
0x191: {  	_ =	swait.ge [sflag:s28], $0x80  }
0x192: {  	[sflag:s28] =	ssyncset.done $0x0  }
0x193: {  	s30 =	simm.s32 $0x1;
	p1 =	por $0x0, $0x0;
	[sflag:s28] =	ssyncadd.s32 $0xFFFFFF80  }
0x194: {  	s29 =	sadd.s32 $0x1, s29  }
0x195: {  	p0 =	sne.s32 s29, s12  }
.Ltmp2:
0x196: {  	_ = 	snop;
	(pc) =	sbr.rel @p0 .LBB2_1-.Ltmp2, $1  }
0x197: {  	_ =	sdelay $0x3  }
0x198: {  	_ =	sfence.sel $0x180000  }
0x199: {  	[bflag:$0x0] =	sbarrier.arrive $0xFFFF  }
0x19a: {  	_ =	strace $0x90000047  }
0x19b: {  	[bflag:$0x2] =	sbarrier.arrive $0xFFFF  }
0x19c: {  	p0 =	sne.s32 s1, $0x0;
	s0 =	rddreg [dreg:$0x5]  }
0x19d: {  	s0 =	sadd.s32 @!p0 $0x100000, s0  }
0x19e: {  	[sflag:s0] =	ssyncadd.tile.s32 @!p0 $0x1;
	_ =	shalt  }
.Lfunc_end2:
_tile_overlayer_lowered:
.L_overlay_start_2:
0x19f: {  	(tag) =	ssettag $0x2  }
0x1a0: {  	s0 =	rddreg [dreg:$0x0];
	s2 =	stileid.u32  }
0x1a1: {  	s1 =	rddreg [dreg:$0x1];
	p0 =	sne.s32 s2, $0x0  }
0x1a2: {  	s3 =	rddreg [dreg:$0x2];
	[bflag:$0x3] =	sbarrier.arrive $0xFFFF;
	s2 =	simm.s32 @!p0 $0x1C05  }
0x1a3: {  	[timem:s3], [sflag:s2] =	dma.local @!p0 [hbm:s0], s1  }
0x1a4: {  	s0 =	simm.s32 @!p0 $0x5  }
0x1a5: {  	_ =	swait.ge @!p0 [sflag:s0], s1  }
0x1a6: {  	s1 =	ssub.s32 @!p0 $0x0, s1;
	[sflag:s0] =	ssyncset.done @!p0 $0x0  }
0x1a7: {  	[sflag:s0] =	ssyncadd.s32 @!p0 s1  }
0x1a8: {  	[bflag:$0x3] =	sbarrier.arrive $0xFFFF  }
0x1a9: {  	_ =	shalt  }

</sc_bundles>
